<compile_context>
chip_gen: v7x
topology: tpu7x:2x2x1
jax: 0.10.2.dev20260603
libtpu: 0.0.44.dev20260713+nightly
codegen_flags: <defaults>
</compile_context>

<pallas_src>
import functools

import jax
import jax.numpy as jnp
from jax import lax
from jax.experimental import pallas as pl
from jax.experimental.pallas import tpu as pltpu
from jax.experimental.pallas import tpu_sc as plsc

B = 32
N = 512
K = 20
R = B * N * K
DP = 128

_SC_CORES = 2
_SC_SUBCORES = 16
_NW = _SC_CORES * _SC_SUBCORES
_CH = 256


def _elu(x):
    return jnp.where(x > 0, x, jnp.exp(jnp.minimum(x, 0.0)) - 1.0)


def _dot(a, b):
    return lax.dot_general(a, b, (((1,), (0,)), ((), ())),
                           precision=lax.Precision.DEFAULT)


def _knn_body(boff, xcb_ref, sqc_ref, sqr_ref, idx_ref):
    b = pl.program_id(0) + boff
    x = xcb_ref[0]
    xx = lax.dot_general(x, x, (((1,), (1,)), ((), ())),
                         precision=lax.Precision.DEFAULT)
    d2 = (sqc_ref[0] + sqr_ref[0]) - 2.0 * xx

    cols = lax.broadcasted_iota(jnp.int32, (N, N), 1)
    sels = []
    d2w = d2
    for _ in range(K):
        sel = jnp.argmin(d2w, axis=1)[:, None]
        sels.append(sel)
        d2w = jnp.where(cols == sel, jnp.float32(jnp.inf), d2w)
    idx_ref[0] = jnp.concatenate(sels, axis=1) + b * N


def _knn(xcb, sqc, sqr, boff):
    d = xcb.shape[-1]
    bh = xcb.shape[0]
    return pl.pallas_call(
        functools.partial(_knn_body, boff),
        grid=(bh,),
        in_specs=[
            pl.BlockSpec((1, N, d), lambda b: (b, 0, 0)),
            pl.BlockSpec((1, N, 1), lambda b: (b, 0, 0)),
            pl.BlockSpec((1, 1, N), lambda b: (b, 0, 0)),
        ],
        out_specs=pl.BlockSpec((1, N, K), lambda b: (b, 0, 0)),
        out_shape=jax.ShapeDtypeStruct((bh, N, K), jnp.int32),
    )(xcb, sqc, sqr)


@functools.cache
def _sc_gather(r):
    per_w = r // _NW
    n_it = per_w // _CH
    mesh = plsc.VectorSubcoreMesh(core_axis_name="c", subcore_axis_name="s")

    @functools.partial(
        pl.kernel,
        mesh=mesh,
        out_type=jax.ShapeDtypeStruct((r, DP), jnp.float32),
        scratch_types=[
            pltpu.VMEM((_CH,), jnp.int32),
            pltpu.VMEM((_CH,), jnp.int32),
            pltpu.VMEM((_CH, DP), jnp.float32),
            pltpu.VMEM((_CH, DP), jnp.float32),
            pltpu.SemaphoreType.DMA,
            pltpu.SemaphoreType.DMA,
        ],
    )
    def k(table_hbm, idx_hbm, out_hbm, idx0, idx1, rows0, rows1, sem0, sem1):
        wid = lax.axis_index("s") * _SC_CORES + lax.axis_index("c")
        base = wid * per_w
        idx_b, rows_b, sem_b = (idx0, idx1), (rows0, rows1), (sem0, sem1)

        pltpu.sync_copy(idx_hbm.at[pl.ds(base, _CH)], idx0)
        pltpu.async_copy(table_hbm.at[idx0], rows0, sem0)

        def body(j, carry):
            for b in (0, 1):
                i = 2 * j + b
                nb = 1 - b

                @pl.when(i + 1 < n_it)
                def _():
                    off_n = base + (i + 1) * _CH
                    pltpu.sync_copy(idx_hbm.at[pl.ds(off_n, _CH)], idx_b[nb])
                    pltpu.async_copy(table_hbm.at[idx_b[nb]], rows_b[nb],
                                     sem_b[nb])

                pltpu.make_async_copy(table_hbm.at[idx_b[b]], rows_b[b],
                                      sem_b[b]).wait()
                pltpu.sync_copy(rows_b[b],
                                out_hbm.at[pl.ds(base + i * _CH, _CH)])
            return carry

        lax.fori_loop(0, n_it // 2, body, 0)

    return k


_NCH = 512


def _edge_mlp_body(d, xcb_ref, g_ref, w1_ref, b1_ref, w2_ref, b2_ref, o_ref):
    xi = xcb_ref[0]
    xj = g_ref[0][:, :d]
    xir = jnp.broadcast_to(xi[:, None, :], (_NCH, K, d)).reshape(_NCH * K, d)
    e = jnp.concatenate([xir, xj - xir], axis=1)
    h = _elu(_dot(e, w1_ref[...]) + b1_ref[...])
    o = _dot(h, w2_ref[...]) + b2_ref[...]
    o = jnp.max(o.reshape(_NCH, K, 64), axis=1)
    o_ref[0] = _elu(o)


def _edge_mlp(xcb, g3, w1, b1, w2, b2):
    d = xcb.shape[-1]
    dh = w1.shape[1]
    bh = xcb.shape[0]
    return pl.pallas_call(
        functools.partial(_edge_mlp_body, d),
        grid=(bh, N // _NCH),
        in_specs=[
            pl.BlockSpec((1, _NCH, d), lambda b, j: (b, j, 0)),
            pl.BlockSpec((1, _NCH * K, DP), lambda b, j: (b, j, 0)),
            pl.BlockSpec((2 * d, dh), lambda b, j: (0, 0)),
            pl.BlockSpec((1, dh), lambda b, j: (0, 0)),
            pl.BlockSpec((dh, 64), lambda b, j: (0, 0)),
            pl.BlockSpec((1, 64), lambda b, j: (0, 0)),
        ],
        out_specs=pl.BlockSpec((1, _NCH, 64), lambda b, j: (b, j, 0)),
        out_shape=jax.ShapeDtypeStruct((bh, N, 64), jnp.float32),
    )(xcb, g3, w1, b1, w2, b2)


def _ffn_body(x_ref, c_ref, w1_ref, b1_ref, w2_ref, b2_ref, w3_ref, b3_ref,
              o_ref):
    pooled = jnp.mean(x_ref[...], axis=1)
    g = jnp.concatenate([pooled, c_ref[...]], axis=1)
    h = _elu(_dot(g, w1_ref[...]) + b1_ref[...])
    h = _elu(_dot(h, w2_ref[...]) + b2_ref[...])
    o_ref[...] = _dot(h, w3_ref[...]) + b3_ref[...]


def _ffn(x3, c, w1, b1, w2, b2, w3, b3):
    return pl.pallas_call(
        _ffn_body,
        out_shape=jax.ShapeDtypeStruct((B, 1), jnp.float32),
    )(x3, c, w1, b1[None], w2, b2[None], w3, b3[None])


_BH = 32


def _conv_layer(x3, cb3, W1, b1, W2, b2):
    xcb = jnp.concatenate([x3, cb3], axis=-1)
    d = xcb.shape[-1]
    sq = jnp.sum(xcb * xcb, axis=-1)
    table = jnp.pad(xcb, ((0, 0), (0, 0), (0, DP - d))).reshape(B * N, DP)
    rh = _BH * N * K
    outs = []
    for h in range(B // _BH):
        s = slice(h * _BH, (h + 1) * _BH)
        idx = _knn(xcb[s], sq[s, :, None], sq[s, None, :], h * _BH)
        g = _sc_gather(rh)(table, idx.reshape(rh))
        outs.append(_edge_mlp(xcb[s], g.reshape(_BH, N * K, DP),
                              W1, b1[None], W2, b2[None]))
    return jnp.concatenate(outs, axis=0)


def kernel(pos, y, batch, conv0_W1, conv0_b1, conv0_W2, conv0_b2,
           conv1_W1, conv1_b1, conv1_W2, conv1_b2,
           conv2_W1, conv2_b1, conv2_W2, conv2_b2,
           ffn_W1, ffn_b1, ffn_W2, ffn_b2, ffn_W3, ffn_b3):
    c = jax.nn.one_hot(y, 10, dtype=jnp.float32)
    cb3 = jnp.broadcast_to(c[:, None, :], (B, N, 10))
    x = jnp.reshape(pos, (B, N, 3))
    x = _conv_layer(x, cb3, conv0_W1, conv0_b1, conv0_W2, conv0_b2)
    x = _conv_layer(x, cb3, conv1_W1, conv1_b1, conv1_W2, conv1_b2)
    x = _conv_layer(x, cb3, conv2_W1, conv2_b1, conv2_W2, conv2_b2)
    return _ffn(x, c, ffn_W1, ffn_b1, ffn_W2, ffn_b2, ffn_W3, ffn_b3)

# --- scband reference (transcript-rebuilt; emitter-appended) ---
"""Pipeline reference for scband-conditional-discriminator-81415400063192 (READ-ONLY COPY).

The authoritative reference and input builder live on the scoring server;
editing this copy changes nothing except your own understanding.
"""

import jax, jax.numpy as jnp
import numpy as np

B = 32
N_PER = 512
K = 20


def _glorot(key, shape):
    return jax.random.normal(key, shape, dtype=jnp.float32) * (1.0 / np.sqrt(shape[0]))


def setup_inputs(seed: int = 0):
    key = jax.random.key(seed)
    ks = jax.random.split(key, 24)
    N = B * N_PER
    inp = {}
    inp['pos'] = jax.random.normal(ks[0], (N, 3), dtype=jnp.float32)
    inp['y'] = jax.random.randint(ks[1], (B,), 0, 10)
    inp['batch'] = jnp.repeat(jnp.arange(B), N_PER)
    # ECConv MLPs: Lin(2*in -> hidden), ELU, Lin(hidden -> out), max-aggr over k neighbors
    # conv0: in=3+10=13, hidden=3*2=6, out=64; conv1/conv2: in=64+10=74, hidden=64*2=128, out=64
    dims = [(13, 6, 64), (74, 128, 64), (74, 128, 64)]
    i = 2
    for li, (din, dh, dout) in enumerate(dims):
        inp['conv%d_W1' % li] = _glorot(ks[i], (2 * din, dh)); i += 1
        inp['conv%d_b1' % li] = jnp.zeros((dh,), jnp.float32)
        inp['conv%d_W2' % li] = _glorot(ks[i], (dh, dout)); i += 1
        inp['conv%d_b2' % li] = jnp.zeros((dout,), jnp.float32)
    # ffn: Lin(64+10 -> 128), Dropout(eval: identity), ELU, Lin(128 -> 128), ELU, Lin(128 -> 1)
    inp['ffn_W1'] = _glorot(ks[i], (74, 128)); i += 1
    inp['ffn_b1'] = jnp.zeros((128,), jnp.float32)
    inp['ffn_W2'] = _glorot(ks[i], (128, 128)); i += 1
    inp['ffn_b2'] = jnp.zeros((128,), jnp.float32)
    inp['ffn_W3'] = _glorot(ks[i], (128, 1)); i += 1
    inp['ffn_b3'] = jnp.zeros((1,), jnp.float32)
    return inp


def _edge_conv(x, W1, b1, W2, b2):
    d = x.shape[1]
    xb = x.reshape(B, N_PER, d)
    sq = jnp.sum(xb * xb, axis=-1)
    d2 = sq[:, :, None] + sq[:, None, :] - 2.0 * jnp.einsum('bnd,bmd->bnm', xb, xb)
    _, idx = jax.lax.top_k(-d2, K)  # kNN in feature space (includes self), per graph
    xj = jax.vmap(lambda f, i: f[i])(xb, idx)  # [B, n, K, d] gather
    xi = jnp.broadcast_to(xb[:, :, None, :], xj.shape)
    e = jnp.concatenate([xi, xj - xi], axis=-1)
    h = jax.nn.elu(e @ W1 + b1)
    o = h @ W2 + b2
    return jnp.max(o, axis=2).reshape(B * N_PER, -1)


def reference(pos, y, batch, conv0_W1, conv0_b1, conv0_W2, conv0_b2, conv1_W1, conv1_b1, conv1_W2, conv1_b2, conv2_W1, conv2_b1, conv2_W2, conv2_b2, ffn_W1, ffn_b1, ffn_W2, ffn_b2, ffn_W3, ffn_b3):
    c = jax.nn.one_hot(y, 10, dtype=jnp.float32)
    cb = c[batch]
    x = pos
    convs = [(conv0_W1, conv0_b1, conv0_W2, conv0_b2),
             (conv1_W1, conv1_b1, conv1_W2, conv1_b2),
             (conv2_W1, conv2_b1, conv2_W2, conv2_b2)]
    for (W1, b1, W2, b2) in convs:
        x = _edge_conv(jnp.concatenate([x, cb], axis=1), W1, b1, W2, b2)
        x = jax.nn.elu(x)
    counts = jax.ops.segment_sum(jnp.ones((x.shape[0],), jnp.float32), batch, num_segments=B)
    pooled = jax.ops.segment_sum(x, batch, num_segments=B) / counts[:, None]
    g = jnp.concatenate([pooled, c], axis=1)
    h = jax.nn.elu(g @ ffn_W1 + ffn_b1)
    h = jax.nn.elu(h @ ffn_W2 + ffn_b2)
    return h @ ffn_W3 + ffn_b3

if __name__ == "__main__":
    import jax
    _d = setup_inputs()
    print(jax.jit(kernel)(*tuple(_d.values())))

</pallas_src>

<mosaic_0001>
#map = affine_map<(d0, d1) -> (0, 0)>
#map1 = affine_map<(d0, d1) -> (0)>
module attributes {stable_mosaic.version = 14 : i64} {
  func.func @k(%arg0: i32, %arg1: i32, %arg2: memref<16384x128xf32, #tpu.memory_space<hbm>>, %arg3: memref<327680xi32, #tpu.memory_space<hbm>>, %arg4: memref<327680x128xf32, #tpu.memory_space<hbm>>, %arg5: memref<256xi32, #tpu.memory_space<vmem>>, %arg6: memref<256xi32, #tpu.memory_space<vmem>>, %arg7: memref<256x128xf32, #tpu.memory_space<vmem>>, %arg8: memref<256x128xf32, #tpu.memory_space<vmem>>, %arg9: memref<!tpu.dma_semaphore, #tpu.memory_space<semaphore_mem>>, %arg10: memref<!tpu.dma_semaphore, #tpu.memory_space<semaphore_mem>>) attributes {dimension_semantics = [#tpu.dimension_semantics<core_parallel>, #tpu.dimension_semantics<subcore_parallel>], iteration_bounds = array<i64: 2, 16>, scalar_prefetch = 0 : i64, scratch_operands = 6 : i64, tpu.core_type = #tpu.core_type<sc_vector_subcore>, window_params = [{transform_indices = #map}, {transform_indices = #map1}, {transform_indices = #map}]} {
    %mul3A = arith.constant 2 : i32
    %mul3A_0 = arith.muli %arg1, %mul3A : i32
    %add3A = arith.addi %mul3A_0, %arg0 : i32
    %mul3A_1 = arith.constant 10240 : i32
    %mul3A_2 = arith.muli %add3A, %mul3A_1 : i32
    "tpu.region"() ({
      %run_scoped3A = tpu.sem_alloc : memref<!tpu.dma_semaphore, #tpu.memory_space<semaphore_mem>>
      %dma_start3A_10 = tpu.memref_slice %arg3[%mul3A_2] : memref<327680xi32, #tpu.memory_space<hbm>> -> memref<256xi32, #tpu.memory_space<hbm>>
      %dma_start3A_11 = tpu.memref_slice %arg3[%mul3A_2] : memref<327680xi32, #tpu.memory_space<hbm>> -> memref<256xi32, #tpu.memory_space<hbm>>
      tpu.enqueue_dma source(%dma_start3A_11 : memref<256xi32, #tpu.memory_space<hbm>>) target(%arg5 : memref<256xi32, #tpu.memory_space<vmem>>) target_semaphore(%run_scoped3A : memref<!tpu.dma_semaphore, #tpu.memory_space<semaphore_mem>>)
      %dma_wait3A = tpu.memref_slice %arg3[%mul3A_2] : memref<327680xi32, #tpu.memory_space<hbm>> -> memref<256xi32, #tpu.memory_space<hbm>>
      %dma_wait3A_12 = tpu.memref_slice %arg3[%mul3A_2] : memref<327680xi32, #tpu.memory_space<hbm>> -> memref<256xi32, #tpu.memory_space<hbm>>
      tpu.wait_dma2 semaphore(%run_scoped3A : memref<!tpu.dma_semaphore, #tpu.memory_space<semaphore_mem>>) src(%dma_wait3A_12 : memref<256xi32, #tpu.memory_space<hbm>>) dst(%arg5 : memref<256xi32, #tpu.memory_space<vmem>>)
      tpu.yield
    }) : () -> ()
    %dma_start3A = arith.constant 0 : i32
    %dma_start3A_3 = arith.constant 0 : i32
    %dma_start3A_4 = tpu.memref_slice %arg2[%dma_start3A, %dma_start3A_3] : memref<16384x128xf32, #tpu.memory_space<hbm>> -> memref<16384x128xf32, #tpu.memory_space<hbm>>
    tpu.enqueue_indirect_dma source(%dma_start3A_4 : memref<16384x128xf32, #tpu.memory_space<hbm>>) target(%arg7 : memref<256x128xf32, #tpu.memory_space<vmem>>) offsets(%arg5 : memref<256xi32, #tpu.memory_space<vmem>>) semaphore(%arg9 : memref<!tpu.dma_semaphore, #tpu.memory_space<semaphore_mem>>)
    %scan3A = arith.constant 0 : i32
    %scan3A_5 = arith.constant 0 : i32
    %scan3A_6 = arith.constant 20 : i32
    %scan3A_7 = arith.addi %scan3A_5, %scan3A_6 : i32
    %scan3A_8 = arith.constant 1 : i32
    scf.for %scan3A_10 = %scan3A_5 to %scan3A_7 step %scan3A_8  : i32 {
      %mul3A_11 = arith.constant 2 : i32
      %mul3A_12 = arith.muli %mul3A_11, %scan3A_10 : i32
      %add3A_13 = arith.constant 0 : i32
      %add3A_14 = arith.addi %mul3A_12, %add3A_13 : i32
      %add3A_15 = arith.constant 1 : i32
      %add3A_16 = arith.addi %add3A_14, %add3A_15 : i32
      %lt3A = arith.constant 40 : i32
      %lt3A_17 = arith.cmpi slt, %add3A_16, %lt3A : i32
      %convert_element_type3A = arith.extui %lt3A_17 : i1 to i32
      %cond3A = arith.constant 0 : i32
      %cond3A_18 = arith.cmpi ne, %convert_element_type3A, %cond3A : i32
      scf.if %cond3A_18 {
        %add3A_41 = arith.constant 1 : i32
        %add3A_42 = arith.addi %add3A_14, %add3A_41 : i32
        %mul3A_43 = arith.constant 256 : i32
        %mul3A_44 = arith.muli %add3A_42, %mul3A_43 : i32
        %add3A_45 = arith.addi %mul3A_2, %mul3A_44 : i32
        "tpu.region"() ({
          %run_scoped3A = tpu.sem_alloc : memref<!tpu.dma_semaphore, #tpu.memory_space<semaphore_mem>>
          %dma_start3A_49 = tpu.memref_slice %arg3[%add3A_45] : memref<327680xi32, #tpu.memory_space<hbm>> -> memref<256xi32, #tpu.memory_space<hbm>>
          %dma_start3A_50 = tpu.memref_slice %arg3[%add3A_45] : memref<327680xi32, #tpu.memory_space<hbm>> -> memref<256xi32, #tpu.memory_space<hbm>>
          tpu.enqueue_dma source(%dma_start3A_50 : memref<256xi32, #tpu.memory_space<hbm>>) target(%arg6 : memref<256xi32, #tpu.memory_space<vmem>>) target_semaphore(%run_scoped3A : memref<!tpu.dma_semaphore, #tpu.memory_space<semaphore_mem>>)
          %dma_wait3A_51 = tpu.memref_slice %arg3[%add3A_45] : memref<327680xi32, #tpu.memory_space<hbm>> -> memref<256xi32, #tpu.memory_space<hbm>>
          %dma_wait3A_52 = tpu.memref_slice %arg3[%add3A_45] : memref<327680xi32, #tpu.memory_space<hbm>> -> memref<256xi32, #tpu.memory_space<hbm>>
          tpu.wait_dma2 semaphore(%run_scoped3A : memref<!tpu.dma_semaphore, #tpu.memory_space<semaphore_mem>>) src(%dma_wait3A_52 : memref<256xi32, #tpu.memory_space<hbm>>) dst(%arg6 : memref<256xi32, #tpu.memory_space<vmem>>)
          tpu.yield
        }) : () -> ()
        %dma_start3A_46 = arith.constant 0 : i32
        %dma_start3A_47 = arith.constant 0 : i32
        %dma_start3A_48 = tpu.memref_slice %arg2[%dma_start3A_46, %dma_start3A_47] : memref<16384x128xf32, #tpu.memory_space<hbm>> -> memref<16384x128xf32, #tpu.memory_space<hbm>>
        tpu.enqueue_indirect_dma source(%dma_start3A_48 : memref<16384x128xf32, #tpu.memory_space<hbm>>) target(%arg8 : memref<256x128xf32, #tpu.memory_space<vmem>>) offsets(%arg6 : memref<256xi32, #tpu.memory_space<vmem>>) semaphore(%arg10 : memref<!tpu.dma_semaphore, #tpu.memory_space<semaphore_mem>>)
      } else {
      }
      %dma_wait3A = arith.constant 0 : i32
      %dma_wait3A_19 = arith.constant 0 : i32
      %dma_wait3A_20 = tpu.memref_slice %arg2[%dma_wait3A, %dma_wait3A_19] : memref<16384x128xf32, #tpu.memory_space<hbm>> -> memref<16384x128xf32, #tpu.memory_space<hbm>>
      tpu.wait_indirect_dma semaphore(%arg9 : memref<!tpu.dma_semaphore, #tpu.memory_space<semaphore_mem>>) src(%dma_wait3A_20 : memref<16384x128xf32, #tpu.memory_space<hbm>>) dst(%arg7 : memref<256x128xf32, #tpu.memory_space<vmem>>)
      %mul3A_21 = arith.constant 256 : i32
      %mul3A_22 = arith.muli %add3A_14, %mul3A_21 : i32
      %add3A_23 = arith.addi %mul3A_2, %mul3A_22 : i32
      "tpu.region"() ({
        %run_scoped3A = tpu.sem_alloc : memref<!tpu.dma_semaphore, #tpu.memory_space<semaphore_mem>>
        %dma_start3A_41 = arith.constant 0 : i32
        %dma_start3A_42 = tpu.memref_slice %arg4[%add3A_23, %dma_start3A_41] : memref<327680x128xf32, #tpu.memory_space<hbm>> -> memref<256x128xf32, #tpu.memory_space<hbm>>
        %dma_start3A_43 = arith.constant 0 : i32
        %dma_start3A_44 = tpu.memref_slice %arg4[%add3A_23, %dma_start3A_43] : memref<327680x128xf32, #tpu.memory_space<hbm>> -> memref<256x128xf32, #tpu.memory_space<hbm>>
        tpu.enqueue_dma source(%arg7 : memref<256x128xf32, #tpu.memory_space<vmem>>) target(%dma_start3A_44 : memref<256x128xf32, #tpu.memory_space<hbm>>) target_semaphore(%run_scoped3A : memref<!tpu.dma_semaphore, #tpu.memory_space<semaphore_mem>>)
        %dma_wait3A_45 = arith.constant 0 : i32
        %dma_wait3A_46 = tpu.memref_slice %arg4[%add3A_23, %dma_wait3A_45] : memref<327680x128xf32, #tpu.memory_space<hbm>> -> memref<256x128xf32, #tpu.memory_space<hbm>>
        %dma_wait3A_47 = arith.constant 0 : i32
        %dma_wait3A_48 = tpu.memref_slice %arg4[%add3A_23, %dma_wait3A_47] : memref<327680x128xf32, #tpu.memory_space<hbm>> -> memref<256x128xf32, #tpu.memory_space<hbm>>
        tpu.wait_dma2 semaphore(%run_scoped3A : memref<!tpu.dma_semaphore, #tpu.memory_space<semaphore_mem>>) src(%arg7 : memref<256x128xf32, #tpu.memory_space<vmem>>) dst(%dma_wait3A_48 : memref<256x128xf32, #tpu.memory_space<hbm>>)
        tpu.yield
      }) : () -> ()
      %mul3A_24 = arith.constant 2 : i32
      %mul3A_25 = arith.muli %mul3A_24, %scan3A_10 : i32
      %add3A_26 = arith.constant 1 : i32
      %add3A_27 = arith.addi %mul3A_25, %add3A_26 : i32
      %add3A_28 = arith.constant 1 : i32
      %add3A_29 = arith.addi %add3A_27, %add3A_28 : i32
      %lt3A_30 = arith.constant 40 : i32
      %lt3A_31 = arith.cmpi slt, %add3A_29, %lt3A_30 : i32
      %convert_element_type3A_32 = arith.extui %lt3A_31 : i1 to i32
      %cond3A_33 = arith.constant 0 : i32
      %cond3A_34 = arith.cmpi ne, %convert_element_type3A_32, %cond3A_33 : i32
      scf.if %cond3A_34 {
        %add3A_41 = arith.constant 1 : i32
        %add3A_42 = arith.addi %add3A_27, %add3A_41 : i32
        %mul3A_43 = arith.constant 256 : i32
        %mul3A_44 = arith.muli %add3A_42, %mul3A_43 : i32
        %add3A_45 = arith.addi %mul3A_2, %mul3A_44 : i32
        "tpu.region"() ({
          %run_scoped3A = tpu.sem_alloc : memref<!tpu.dma_semaphore, #tpu.memory_space<semaphore_mem>>
          %dma_start3A_49 = tpu.memref_slice %arg3[%add3A_45] : memref<327680xi32, #tpu.memory_space<hbm>> -> memref<256xi32, #tpu.memory_space<hbm>>
          %dma_start3A_50 = tpu.memref_slice %arg3[%add3A_45] : memref<327680xi32, #tpu.memory_space<hbm>> -> memref<256xi32, #tpu.memory_space<hbm>>
          tpu.enqueue_dma source(%dma_start3A_50 : memref<256xi32, #tpu.memory_space<hbm>>) target(%arg5 : memref<256xi32, #tpu.memory_space<vmem>>) target_semaphore(%run_scoped3A : memref<!tpu.dma_semaphore, #tpu.memory_space<semaphore_mem>>)
          %dma_wait3A_51 = tpu.memref_slice %arg3[%add3A_45] : memref<327680xi32, #tpu.memory_space<hbm>> -> memref<256xi32, #tpu.memory_space<hbm>>
          %dma_wait3A_52 = tpu.memref_slice %arg3[%add3A_45] : memref<327680xi32, #tpu.memory_space<hbm>> -> memref<256xi32, #tpu.memory_space<hbm>>
          tpu.wait_dma2 semaphore(%run_scoped3A : memref<!tpu.dma_semaphore, #tpu.memory_space<semaphore_mem>>) src(%dma_wait3A_52 : memref<256xi32, #tpu.memory_space<hbm>>) dst(%arg5 : memref<256xi32, #tpu.memory_space<vmem>>)
          tpu.yield
        }) : () -> ()
        %dma_start3A_46 = arith.constant 0 : i32
        %dma_start3A_47 = arith.constant 0 : i32
        %dma_start3A_48 = tpu.memref_slice %arg2[%dma_start3A_46, %dma_start3A_47] : memref<16384x128xf32, #tpu.memory_space<hbm>> -> memref<16384x128xf32, #tpu.memory_space<hbm>>
        tpu.enqueue_indirect_dma source(%dma_start3A_48 : memref<16384x128xf32, #tpu.memory_space<hbm>>) target(%arg7 : memref<256x128xf32, #tpu.memory_space<vmem>>) offsets(%arg5 : memref<256xi32, #tpu.memory_space<vmem>>) semaphore(%arg9 : memref<!tpu.dma_semaphore, #tpu.memory_space<semaphore_mem>>)
      } else {
      }
      %dma_wait3A_35 = arith.constant 0 : i32
      %dma_wait3A_36 = arith.constant 0 : i32
      %dma_wait3A_37 = tpu.memref_slice %arg2[%dma_wait3A_35, %dma_wait3A_36] : memref<16384x128xf32, #tpu.memory_space<hbm>> -> memref<16384x128xf32, #tpu.memory_space<hbm>>
      tpu.wait_indirect_dma semaphore(%arg10 : memref<!tpu.dma_semaphore, #tpu.memory_space<semaphore_mem>>) src(%dma_wait3A_37 : memref<16384x128xf32, #tpu.memory_space<hbm>>) dst(%arg8 : memref<256x128xf32, #tpu.memory_space<vmem>>)
      %mul3A_38 = arith.constant 256 : i32
      %mul3A_39 = arith.muli %add3A_27, %mul3A_38 : i32
      %add3A_40 = arith.addi %mul3A_2, %mul3A_39 : i32
      "tpu.region"() ({
        %run_scoped3A = tpu.sem_alloc : memref<!tpu.dma_semaphore, #tpu.memory_space<semaphore_mem>>
        %dma_start3A_41 = arith.constant 0 : i32
        %dma_start3A_42 = tpu.memref_slice %arg4[%add3A_40, %dma_start3A_41] : memref<327680x128xf32, #tpu.memory_space<hbm>> -> memref<256x128xf32, #tpu.memory_space<hbm>>
        %dma_start3A_43 = arith.constant 0 : i32
        %dma_start3A_44 = tpu.memref_slice %arg4[%add3A_40, %dma_start3A_43] : memref<327680x128xf32, #tpu.memory_space<hbm>> -> memref<256x128xf32, #tpu.memory_space<hbm>>
        tpu.enqueue_dma source(%arg8 : memref<256x128xf32, #tpu.memory_space<vmem>>) target(%dma_start3A_44 : memref<256x128xf32, #tpu.memory_space<hbm>>) target_semaphore(%run_scoped3A : memref<!tpu.dma_semaphore, #tpu.memory_space<semaphore_mem>>)
        %dma_wait3A_45 = arith.constant 0 : i32
        %dma_wait3A_46 = tpu.memref_slice %arg4[%add3A_40, %dma_wait3A_45] : memref<327680x128xf32, #tpu.memory_space<hbm>> -> memref<256x128xf32, #tpu.memory_space<hbm>>
        %dma_wait3A_47 = arith.constant 0 : i32
        %dma_wait3A_48 = tpu.memref_slice %arg4[%add3A_40, %dma_wait3A_47] : memref<327680x128xf32, #tpu.memory_space<hbm>> -> memref<256x128xf32, #tpu.memory_space<hbm>>
        tpu.wait_dma2 semaphore(%run_scoped3A : memref<!tpu.dma_semaphore, #tpu.memory_space<semaphore_mem>>) src(%arg8 : memref<256x128xf32, #tpu.memory_space<vmem>>) dst(%dma_wait3A_48 : memref<256x128xf32, #tpu.memory_space<hbm>>)
        tpu.yield
      }) : () -> ()
    }
    %scan3A_9 = arith.constant 20 : i32
    return
  }
}

#map = affine_map<(d0, d1) -> (0, 0)>
#map1 = affine_map<(d0, d1) -> (0)>
module attributes {stable_mosaic.version = 14 : i64} {
  func.func @k(%arg0: i32, %arg1: i32, %arg2: memref<16384x128xf32, #tpu.memory_space<hbm>>, %arg3: memref<327680xi32, #tpu.memory_space<hbm>>, %arg4: memref<327680x128xf32, #tpu.memory_space<hbm>>, %arg5: memref<256xi32, #tpu.memory_space<vmem>>, %arg6: memref<256xi32, #tpu.memory_space<vmem>>, %arg7: memref<256x128xf32, #tpu.memory_space<vmem>>, %arg8: memref<256x128xf32, #tpu.memory_space<vmem>>, %arg9: memref<!tpu.dma_semaphore, #tpu.memory_space<semaphore_mem>>, %arg10: memref<!tpu.dma_semaphore, #tpu.memory_space<semaphore_mem>>) attributes {dimension_semantics = [#tpu.dimension_semantics<core_parallel>, #tpu.dimension_semantics<subcore_parallel>], iteration_bounds = array<i64: 2, 16>, scalar_prefetch = 0 : i64, scratch_operands = 6 : i64, tpu.core_type = #tpu.core_type<sc_vector_subcore>, window_params = [{transform_indices = #map}, {transform_indices = #map1}, {transform_indices = #map}]} {
    %mul3A = arith.constant 2 : i32
    %mul3A_0 = arith.muli %arg1, %mul3A : i32
    %add3A = arith.addi %mul3A_0, %arg0 : i32
    %mul3A_1 = arith.constant 10240 : i32
    %mul3A_2 = arith.muli %add3A, %mul3A_1 : i32
    "tpu.region"() ({
      %run_scoped3A = tpu.sem_alloc : memref<!tpu.dma_semaphore, #tpu.memory_space<semaphore_mem>>
      %dma_start3A_10 = tpu.memref_slice %arg3[%mul3A_2] : memref<327680xi32, #tpu.memory_space<hbm>> -> memref<256xi32, #tpu.memory_space<hbm>>
      %dma_start3A_11 = tpu.memref_slice %arg3[%mul3A_2] : memref<327680xi32, #tpu.memory_space<hbm>> -> memref<256xi32, #tpu.memory_space<hbm>>
      tpu.enqueue_dma source(%dma_start3A_11 : memref<256xi32, #tpu.memory_space<hbm>>) target(%arg5 : memref<256xi32, #tpu.memory_space<vmem>>) target_semaphore(%run_scoped3A : memref<!tpu.dma_semaphore, #tpu.memory_space<semaphore_mem>>)
      %dma_wait3A = tpu.memref_slice %arg3[%mul3A_2] : memref<327680xi32, #tpu.memory_space<hbm>> -> memref<256xi32, #tpu.memory_space<hbm>>
      %dma_wait3A_12 = tpu.memref_slice %arg3[%mul3A_2] : memref<327680xi32, #tpu.memory_space<hbm>> -> memref<256xi32, #tpu.memory_space<hbm>>
      tpu.wait_dma2 semaphore(%run_scoped3A : memref<!tpu.dma_semaphore, #tpu.memory_space<semaphore_mem>>) src(%dma_wait3A_12 : memref<256xi32, #tpu.memory_space<hbm>>) dst(%arg5 : memref<256xi32, #tpu.memory_space<vmem>>)
      tpu.yield
    }) : () -> ()
    %dma_start3A = arith.constant 0 : i32
    %dma_start3A_3 = arith.constant 0 : i32
    %dma_start3A_4 = tpu.memref_slice %arg2[%dma_start3A, %dma_start3A_3] : memref<16384x128xf32, #tpu.memory_space<hbm>> -> memref<16384x128xf32, #tpu.memory_space<hbm>>
    tpu.enqueue_indirect_dma source(%dma_start3A_4 : memref<16384x128xf32, #tpu.memory_space<hbm>>) target(%arg7 : memref<256x128xf32, #tpu.memory_space<vmem>>) offsets(%arg5 : memref<256xi32, #tpu.memory_space<vmem>>) semaphore(%arg9 : memref<!tpu.dma_semaphore, #tpu.memory_space<semaphore_mem>>)
    %scan3A = arith.constant 0 : i32
    %scan3A_5 = arith.constant 0 : i32
    %scan3A_6 = arith.constant 20 : i32
    %scan3A_7 = arith.addi %scan3A_5, %scan3A_6 : i32
    %scan3A_8 = arith.constant 1 : i32
    scf.for %scan3A_10 = %scan3A_5 to %scan3A_7 step %scan3A_8  : i32 {
      %mul3A_11 = arith.constant 2 : i32
      %mul3A_12 = arith.muli %mul3A_11, %scan3A_10 : i32
      %add3A_13 = arith.constant 0 : i32
      %add3A_14 = arith.addi %mul3A_12, %add3A_13 : i32
      %add3A_15 = arith.constant 1 : i32
      %add3A_16 = arith.addi %add3A_14, %add3A_15 : i32
      %lt3A = arith.constant 40 : i32
      %lt3A_17 = arith.cmpi slt, %add3A_16, %lt3A : i32
      %convert_element_type3A = arith.extui %lt3A_17 : i1 to i32
      %cond3A = arith.constant 0 : i32
      %cond3A_18 = arith.cmpi ne, %convert_element_type3A, %cond3A : i32
      scf.if %cond3A_18 {
        %add3A_41 = arith.constant 1 : i32
        %add3A_42 = arith.addi %add3A_14, %add3A_41 : i32
        %mul3A_43 = arith.constant 256 : i32
        %mul3A_44 = arith.muli %add3A_42, %mul3A_43 : i32
        %add3A_45 = arith.addi %mul3A_2, %mul3A_44 : i32
        "tpu.region"() ({
          %run_scoped3A = tpu.sem_alloc : memref<!tpu.dma_semaphore, #tpu.memory_space<semaphore_mem>>
          %dma_start3A_49 = tpu.memref_slice %arg3[%add3A_45] : memref<327680xi32, #tpu.memory_space<hbm>> -> memref<256xi32, #tpu.memory_space<hbm>>
          %dma_start3A_50 = tpu.memref_slice %arg3[%add3A_45] : memref<327680xi32, #tpu.memory_space<hbm>> -> memref<256xi32, #tpu.memory_space<hbm>>
          tpu.enqueue_dma source(%dma_start3A_50 : memref<256xi32, #tpu.memory_space<hbm>>) target(%arg6 : memref<256xi32, #tpu.memory_space<vmem>>) target_semaphore(%run_scoped3A : memref<!tpu.dma_semaphore, #tpu.memory_space<semaphore_mem>>)
          %dma_wait3A_51 = tpu.memref_slice %arg3[%add3A_45] : memref<327680xi32, #tpu.memory_space<hbm>> -> memref<256xi32, #tpu.memory_space<hbm>>
          %dma_wait3A_52 = tpu.memref_slice %arg3[%add3A_45] : memref<327680xi32, #tpu.memory_space<hbm>> -> memref<256xi32, #tpu.memory_space<hbm>>
          tpu.wait_dma2 semaphore(%run_scoped3A : memref<!tpu.dma_semaphore, #tpu.memory_space<semaphore_mem>>) src(%dma_wait3A_52 : memref<256xi32, #tpu.memory_space<hbm>>) dst(%arg6 : memref<256xi32, #tpu.memory_space<vmem>>)
          tpu.yield
        }) : () -> ()
        %dma_start3A_46 = arith.constant 0 : i32
        %dma_start3A_47 = arith.constant 0 : i32
        %dma_start3A_48 = tpu.memref_slice %arg2[%dma_start3A_46, %dma_start3A_47] : memref<16384x128xf32, #tpu.memory_space<hbm>> -> memref<16384x128xf32, #tpu.memory_space<hbm>>
        tpu.enqueue_indirect_dma source(%dma_start3A_48 : memref<16384x128xf32, #tpu.memory_space<hbm>>) target(%arg8 : memref<256x128xf32, #tpu.memory_space<vmem>>) offsets(%arg6 : memref<256xi32, #tpu.memory_space<vmem>>) semaphore(%arg10 : memref<!tpu.dma_semaphore, #tpu.memory_space<semaphore_mem>>)
      } else {
      }
      %dma_wait3A = arith.constant 0 : i32
      %dma_wait3A_19 = arith.constant 0 : i32
      %dma_wait3A_20 = tpu.memref_slice %arg2[%dma_wait3A, %dma_wait3A_19] : memref<16384x128xf32, #tpu.memory_space<hbm>> -> memref<16384x128xf32, #tpu.memory_space<hbm>>
      tpu.wait_indirect_dma semaphore(%arg9 : memref<!tpu.dma_semaphore, #tpu.memory_space<semaphore_mem>>) src(%dma_wait3A_20 : memref<16384x128xf32, #tpu.memory_space<hbm>>) dst(%arg7 : memref<256x128xf32, #tpu.memory_space<vmem>>)
      %mul3A_21 = arith.constant 256 : i32
      %mul3A_22 = arith.muli %add3A_14, %mul3A_21 : i32
      %add3A_23 = arith.addi %mul3A_2, %mul3A_22 : i32
      "tpu.region"() ({
        %run_scoped3A = tpu.sem_alloc : memref<!tpu.dma_semaphore, #tpu.memory_space<semaphore_mem>>
        %dma_start3A_41 = arith.constant 0 : i32
        %dma_start3A_42 = tpu.memref_slice %arg4[%add3A_23, %dma_start3A_41] : memref<327680x128xf32, #tpu.memory_space<hbm>> -> memref<256x128xf32, #tpu.memory_space<hbm>>
        %dma_start3A_43 = arith.constant 0 : i32
        %dma_start3A_44 = tpu.memref_slice %arg4[%add3A_23, %dma_start3A_43] : memref<327680x128xf32, #tpu.memory_space<hbm>> -> memref<256x128xf32, #tpu.memory_space<hbm>>
        tpu.enqueue_dma source(%arg7 : memref<256x128xf32, #tpu.memory_space<vmem>>) target(%dma_start3A_44 : memref<256x128xf32, #tpu.memory_space<hbm>>) target_semaphore(%run_scoped3A : memref<!tpu.dma_semaphore, #tpu.memory_space<semaphore_mem>>)
        %dma_wait3A_45 = arith.constant 0 : i32
        %dma_wait3A_46 = tpu.memref_slice %arg4[%add3A_23, %dma_wait3A_45] : memref<327680x128xf32, #tpu.memory_space<hbm>> -> memref<256x128xf32, #tpu.memory_space<hbm>>
        %dma_wait3A_47 = arith.constant 0 : i32
        %dma_wait3A_48 = tpu.memref_slice %arg4[%add3A_23, %dma_wait3A_47] : memref<327680x128xf32, #tpu.memory_space<hbm>> -> memref<256x128xf32, #tpu.memory_space<hbm>>
        tpu.wait_dma2 semaphore(%run_scoped3A : memref<!tpu.dma_semaphore, #tpu.memory_space<semaphore_mem>>) src(%arg7 : memref<256x128xf32, #tpu.memory_space<vmem>>) dst(%dma_wait3A_48 : memref<256x128xf32, #tpu.memory_space<hbm>>)
        tpu.yield
      }) : () -> ()
      %mul3A_24 = arith.constant 2 : i32
      %mul3A_25 = arith.muli %mul3A_24, %scan3A_10 : i32
      %add3A_26 = arith.constant 1 : i32
      %add3A_27 = arith.addi %mul3A_25, %add3A_26 : i32
      %add3A_28 = arith.constant 1 : i32
      %add3A_29 = arith.addi %add3A_27, %add3A_28 : i32
      %lt3A_30 = arith.constant 40 : i32
      %lt3A_31 = arith.cmpi slt, %add3A_29, %lt3A_30 : i32
      %convert_element_type3A_32 = arith.extui %lt3A_31 : i1 to i32
      %cond3A_33 = arith.constant 0 : i32
      %cond3A_34 = arith.cmpi ne, %convert_element_type3A_32, %cond3A_33 : i32
      scf.if %cond3A_34 {
        %add3A_41 = arith.constant 1 : i32
        %add3A_42 = arith.addi %add3A_27, %add3A_41 : i32
        %mul3A_43 = arith.constant 256 : i32
        %mul3A_44 = arith.muli %add3A_42, %mul3A_43 : i32
        %add3A_45 = arith.addi %mul3A_2, %mul3A_44 : i32
        "tpu.region"() ({
          %run_scoped3A = tpu.sem_alloc : memref<!tpu.dma_semaphore, #tpu.memory_space<semaphore_mem>>
          %dma_start3A_49 = tpu.memref_slice %arg3[%add3A_45] : memref<327680xi32, #tpu.memory_space<hbm>> -> memref<256xi32, #tpu.memory_space<hbm>>
          %dma_start3A_50 = tpu.memref_slice %arg3[%add3A_45] : memref<327680xi32, #tpu.memory_space<hbm>> -> memref<256xi32, #tpu.memory_space<hbm>>
          tpu.enqueue_dma source(%dma_start3A_50 : memref<256xi32, #tpu.memory_space<hbm>>) target(%arg5 : memref<256xi32, #tpu.memory_space<vmem>>) target_semaphore(%run_scoped3A : memref<!tpu.dma_semaphore, #tpu.memory_space<semaphore_mem>>)
          %dma_wait3A_51 = tpu.memref_slice %arg3[%add3A_45] : memref<327680xi32, #tpu.memory_space<hbm>> -> memref<256xi32, #tpu.memory_space<hbm>>
          %dma_wait3A_52 = tpu.memref_slice %arg3[%add3A_45] : memref<327680xi32, #tpu.memory_space<hbm>> -> memref<256xi32, #tpu.memory_space<hbm>>
          tpu.wait_dma2 semaphore(%run_scoped3A : memref<!tpu.dma_semaphore, #tpu.memory_space<semaphore_mem>>) src(%dma_wait3A_52 : memref<256xi32, #tpu.memory_space<hbm>>) dst(%arg5 : memref<256xi32, #tpu.memory_space<vmem>>)
          tpu.yield
        }) : () -> ()
        %dma_start3A_46 = arith.constant 0 : i32
        %dma_start3A_47 = arith.constant 0 : i32
        %dma_start3A_48 = tpu.memref_slice %arg2[%dma_start3A_46, %dma_start3A_47] : memref<16384x128xf32, #tpu.memory_space<hbm>> -> memref<16384x128xf32, #tpu.memory_space<hbm>>
        tpu.enqueue_indirect_dma source(%dma_start3A_48 : memref<16384x128xf32, #tpu.memory_space<hbm>>) target(%arg7 : memref<256x128xf32, #tpu.memory_space<vmem>>) offsets(%arg5 : memref<256xi32, #tpu.memory_space<vmem>>) semaphore(%arg9 : memref<!tpu.dma_semaphore, #tpu.memory_space<semaphore_mem>>)
      } else {
      }
      %dma_wait3A_35 = arith.constant 0 : i32
      %dma_wait3A_36 = arith.constant 0 : i32
      %dma_wait3A_37 = tpu.memref_slice %arg2[%dma_wait3A_35, %dma_wait3A_36] : memref<16384x128xf32, #tpu.memory_space<hbm>> -> memref<16384x128xf32, #tpu.memory_space<hbm>>
      tpu.wait_indirect_dma semaphore(%arg10 : memref<!tpu.dma_semaphore, #tpu.memory_space<semaphore_mem>>) src(%dma_wait3A_37 : memref<16384x128xf32, #tpu.memory_space<hbm>>) dst(%arg8 : memref<256x128xf32, #tpu.memory_space<vmem>>)
      %mul3A_38 = arith.constant 256 : i32
      %mul3A_39 = arith.muli %add3A_27, %mul3A_38 : i32
      %add3A_40 = arith.addi %mul3A_2, %mul3A_39 : i32
      "tpu.region"() ({
        %run_scoped3A = tpu.sem_alloc : memref<!tpu.dma_semaphore, #tpu.memory_space<semaphore_mem>>
        %dma_start3A_41 = arith.constant 0 : i32
        %dma_start3A_42 = tpu.memref_slice %arg4[%add3A_40, %dma_start3A_41] : memref<327680x128xf32, #tpu.memory_space<hbm>> -> memref<256x128xf32, #tpu.memory_space<hbm>>
        %dma_start3A_43 = arith.constant 0 : i32
        %dma_start3A_44 = tpu.memref_slice %arg4[%add3A_40, %dma_start3A_43] : memref<327680x128xf32, #tpu.memory_space<hbm>> -> memref<256x128xf32, #tpu.memory_space<hbm>>
        tpu.enqueue_dma source(%arg8 : memref<256x128xf32, #tpu.memory_space<vmem>>) target(%dma_start3A_44 : memref<256x128xf32, #tpu.memory_space<hbm>>) target_semaphore(%run_scoped3A : memref<!tpu.dma_semaphore, #tpu.memory_space<semaphore_mem>>)
        %dma_wait3A_45 = arith.constant 0 : i32
        %dma_wait3A_46 = tpu.memref_slice %arg4[%add3A_40, %dma_wait3A_45] : memref<327680x128xf32, #tpu.memory_space<hbm>> -> memref<256x128xf32, #tpu.memory_space<hbm>>
        %dma_wait3A_47 = arith.constant 0 : i32
        %dma_wait3A_48 = tpu.memref_slice %arg4[%add3A_40, %dma_wait3A_47] : memref<327680x128xf32, #tpu.memory_space<hbm>> -> memref<256x128xf32, #tpu.memory_space<hbm>>
        tpu.wait_dma2 semaphore(%run_scoped3A : memref<!tpu.dma_semaphore, #tpu.memory_space<semaphore_mem>>) src(%arg8 : memref<256x128xf32, #tpu.memory_space<vmem>>) dst(%dma_wait3A_48 : memref<256x128xf32, #tpu.memory_space<hbm>>)
        tpu.yield
      }) : () -> ()
    }
    %scan3A_9 = arith.constant 20 : i32
    return
  }
}

#map = affine_map<(d0, d1) -> (0, 0)>
#map1 = affine_map<(d0, d1) -> (0)>
module attributes {stable_mosaic.version = 14 : i64} {
  func.func @k(%arg0: i32, %arg1: i32, %arg2: memref<16384x128xf32, #tpu.memory_space<hbm>>, %arg3: memref<327680xi32, #tpu.memory_space<hbm>>, %arg4: memref<327680x128xf32, #tpu.memory_space<hbm>>, %arg5: memref<256xi32, #tpu.memory_space<vmem>>, %arg6: memref<256xi32, #tpu.memory_space<vmem>>, %arg7: memref<256x128xf32, #tpu.memory_space<vmem>>, %arg8: memref<256x128xf32, #tpu.memory_space<vmem>>, %arg9: memref<!tpu.dma_semaphore, #tpu.memory_space<semaphore_mem>>, %arg10: memref<!tpu.dma_semaphore, #tpu.memory_space<semaphore_mem>>) attributes {dimension_semantics = [#tpu.dimension_semantics<core_parallel>, #tpu.dimension_semantics<subcore_parallel>], iteration_bounds = array<i64: 2, 16>, scalar_prefetch = 0 : i64, scratch_operands = 6 : i64, tpu.core_type = #tpu.core_type<sc_vector_subcore>, window_params = [{transform_indices = #map}, {transform_indices = #map1}, {transform_indices = #map}]} {
    %mul3A = arith.constant 2 : i32
    %mul3A_0 = arith.muli %arg1, %mul3A : i32
    %add3A = arith.addi %mul3A_0, %arg0 : i32
    %mul3A_1 = arith.constant 10240 : i32
    %mul3A_2 = arith.muli %add3A, %mul3A_1 : i32
    "tpu.region"() ({
      %run_scoped3A = tpu.sem_alloc : memref<!tpu.dma_semaphore, #tpu.memory_space<semaphore_mem>>
      %dma_start3A_10 = tpu.memref_slice %arg3[%mul3A_2] : memref<327680xi32, #tpu.memory_space<hbm>> -> memref<256xi32, #tpu.memory_space<hbm>>
      %dma_start3A_11 = tpu.memref_slice %arg3[%mul3A_2] : memref<327680xi32, #tpu.memory_space<hbm>> -> memref<256xi32, #tpu.memory_space<hbm>>
      tpu.enqueue_dma source(%dma_start3A_11 : memref<256xi32, #tpu.memory_space<hbm>>) target(%arg5 : memref<256xi32, #tpu.memory_space<vmem>>) target_semaphore(%run_scoped3A : memref<!tpu.dma_semaphore, #tpu.memory_space<semaphore_mem>>)
      %dma_wait3A = tpu.memref_slice %arg3[%mul3A_2] : memref<327680xi32, #tpu.memory_space<hbm>> -> memref<256xi32, #tpu.memory_space<hbm>>
      %dma_wait3A_12 = tpu.memref_slice %arg3[%mul3A_2] : memref<327680xi32, #tpu.memory_space<hbm>> -> memref<256xi32, #tpu.memory_space<hbm>>
      tpu.wait_dma2 semaphore(%run_scoped3A : memref<!tpu.dma_semaphore, #tpu.memory_space<semaphore_mem>>) src(%dma_wait3A_12 : memref<256xi32, #tpu.memory_space<hbm>>) dst(%arg5 : memref<256xi32, #tpu.memory_space<vmem>>)
      tpu.yield
    }) : () -> ()
    %dma_start3A = arith.constant 0 : i32
    %dma_start3A_3 = arith.constant 0 : i32
    %dma_start3A_4 = tpu.memref_slice %arg2[%dma_start3A, %dma_start3A_3] : memref<16384x128xf32, #tpu.memory_space<hbm>> -> memref<16384x128xf32, #tpu.memory_space<hbm>>
    tpu.enqueue_indirect_dma source(%dma_start3A_4 : memref<16384x128xf32, #tpu.memory_space<hbm>>) target(%arg7 : memref<256x128xf32, #tpu.memory_space<vmem>>) offsets(%arg5 : memref<256xi32, #tpu.memory_space<vmem>>) semaphore(%arg9 : memref<!tpu.dma_semaphore, #tpu.memory_space<semaphore_mem>>)
    %scan3A = arith.constant 0 : i32
    %scan3A_5 = arith.constant 0 : i32
    %scan3A_6 = arith.constant 20 : i32
    %scan3A_7 = arith.addi %scan3A_5, %scan3A_6 : i32
    %scan3A_8 = arith.constant 1 : i32
    scf.for %scan3A_10 = %scan3A_5 to %scan3A_7 step %scan3A_8  : i32 {
      %mul3A_11 = arith.constant 2 : i32
      %mul3A_12 = arith.muli %mul3A_11, %scan3A_10 : i32
      %add3A_13 = arith.constant 0 : i32
      %add3A_14 = arith.addi %mul3A_12, %add3A_13 : i32
      %add3A_15 = arith.constant 1 : i32
      %add3A_16 = arith.addi %add3A_14, %add3A_15 : i32
      %lt3A = arith.constant 40 : i32
      %lt3A_17 = arith.cmpi slt, %add3A_16, %lt3A : i32
      %convert_element_type3A = arith.extui %lt3A_17 : i1 to i32
      %cond3A = arith.constant 0 : i32
      %cond3A_18 = arith.cmpi ne, %convert_element_type3A, %cond3A : i32
      scf.if %cond3A_18 {
        %add3A_41 = arith.constant 1 : i32
        %add3A_42 = arith.addi %add3A_14, %add3A_41 : i32
        %mul3A_43 = arith.constant 256 : i32
        %mul3A_44 = arith.muli %add3A_42, %mul3A_43 : i32
        %add3A_45 = arith.addi %mul3A_2, %mul3A_44 : i32
        "tpu.region"() ({
          %run_scoped3A = tpu.sem_alloc : memref<!tpu.dma_semaphore, #tpu.memory_space<semaphore_mem>>
          %dma_start3A_49 = tpu.memref_slice %arg3[%add3A_45] : memref<327680xi32, #tpu.memory_space<hbm>> -> memref<256xi32, #tpu.memory_space<hbm>>
          %dma_start3A_50 = tpu.memref_slice %arg3[%add3A_45] : memref<327680xi32, #tpu.memory_space<hbm>> -> memref<256xi32, #tpu.memory_space<hbm>>
          tpu.enqueue_dma source(%dma_start3A_50 : memref<256xi32, #tpu.memory_space<hbm>>) target(%arg6 : memref<256xi32, #tpu.memory_space<vmem>>) target_semaphore(%run_scoped3A : memref<!tpu.dma_semaphore, #tpu.memory_space<semaphore_mem>>)
          %dma_wait3A_51 = tpu.memref_slice %arg3[%add3A_45] : memref<327680xi32, #tpu.memory_space<hbm>> -> memref<256xi32, #tpu.memory_space<hbm>>
          %dma_wait3A_52 = tpu.memref_slice %arg3[%add3A_45] : memref<327680xi32, #tpu.memory_space<hbm>> -> memref<256xi32, #tpu.memory_space<hbm>>
          tpu.wait_dma2 semaphore(%run_scoped3A : memref<!tpu.dma_semaphore, #tpu.memory_space<semaphore_mem>>) src(%dma_wait3A_52 : memref<256xi32, #tpu.memory_space<hbm>>) dst(%arg6 : memref<256xi32, #tpu.memory_space<vmem>>)
          tpu.yield
        }) : () -> ()
        %dma_start3A_46 = arith.constant 0 : i32
        %dma_start3A_47 = arith.constant 0 : i32
        %dma_start3A_48 = tpu.memref_slice %arg2[%dma_start3A_46, %dma_start3A_47] : memref<16384x128xf32, #tpu.memory_space<hbm>> -> memref<16384x128xf32, #tpu.memory_space<hbm>>
        tpu.enqueue_indirect_dma source(%dma_start3A_48 : memref<16384x128xf32, #tpu.memory_space<hbm>>) target(%arg8 : memref<256x128xf32, #tpu.memory_space<vmem>>) offsets(%arg6 : memref<256xi32, #tpu.memory_space<vmem>>) semaphore(%arg10 : memref<!tpu.dma_semaphore, #tpu.memory_space<semaphore_mem>>)
      } else {
      }
      %dma_wait3A = arith.constant 0 : i32
      %dma_wait3A_19 = arith.constant 0 : i32
      %dma_wait3A_20 = tpu.memref_slice %arg2[%dma_wait3A, %dma_wait3A_19] : memref<16384x128xf32, #tpu.memory_space<hbm>> -> memref<16384x128xf32, #tpu.memory_space<hbm>>
      tpu.wait_indirect_dma semaphore(%arg9 : memref<!tpu.dma_semaphore, #tpu.memory_space<semaphore_mem>>) src(%dma_wait3A_20 : memref<16384x128xf32, #tpu.memory_space<hbm>>) dst(%arg7 : memref<256x128xf32, #tpu.memory_space<vmem>>)
      %mul3A_21 = arith.constant 256 : i32
      %mul3A_22 = arith.muli %add3A_14, %mul3A_21 : i32
      %add3A_23 = arith.addi %mul3A_2, %mul3A_22 : i32
      "tpu.region"() ({
        %run_scoped3A = tpu.sem_alloc : memref<!tpu.dma_semaphore, #tpu.memory_space<semaphore_mem>>
        %dma_start3A_41 = arith.constant 0 : i32
        %dma_start3A_42 = tpu.memref_slice %arg4[%add3A_23, %dma_start3A_41] : memref<327680x128xf32, #tpu.memory_space<hbm>> -> memref<256x128xf32, #tpu.memory_space<hbm>>
        %dma_start3A_43 = arith.constant 0 : i32
        %dma_start3A_44 = tpu.memref_slice %arg4[%add3A_23, %dma_start3A_43] : memref<327680x128xf32, #tpu.memory_space<hbm>> -> memref<256x128xf32, #tpu.memory_space<hbm>>
        tpu.enqueue_dma source(%arg7 : memref<256x128xf32, #tpu.memory_space<vmem>>) target(%dma_start3A_44 : memref<256x128xf32, #tpu.memory_space<hbm>>) target_semaphore(%run_scoped3A : memref<!tpu.dma_semaphore, #tpu.memory_space<semaphore_mem>>)
        %dma_wait3A_45 = arith.constant 0 : i32
        %dma_wait3A_46 = tpu.memref_slice %arg4[%add3A_23, %dma_wait3A_45] : memref<327680x128xf32, #tpu.memory_space<hbm>> -> memref<256x128xf32, #tpu.memory_space<hbm>>
        %dma_wait3A_47 = arith.constant 0 : i32
        %dma_wait3A_48 = tpu.memref_slice %arg4[%add3A_23, %dma_wait3A_47] : memref<327680x128xf32, #tpu.memory_space<hbm>> -> memref<256x128xf32, #tpu.memory_space<hbm>>
        tpu.wait_dma2 semaphore(%run_scoped3A : memref<!tpu.dma_semaphore, #tpu.memory_space<semaphore_mem>>) src(%arg7 : memref<256x128xf32, #tpu.memory_space<vmem>>) dst(%dma_wait3A_48 : memref<256x128xf32, #tpu.memory_space<hbm>>)
        tpu.yield
      }) : () -> ()
      %mul3A_24 = arith.constant 2 : i32
      %mul3A_25 = arith.muli %mul3A_24, %scan3A_10 : i32
      %add3A_26 = arith.constant 1 : i32
      %add3A_27 = arith.addi %mul3A_25, %add3A_26 : i32
      %add3A_28 = arith.constant 1 : i32
      %add3A_29 = arith.addi %add3A_27, %add3A_28 : i32
      %lt3A_30 = arith.constant 40 : i32
      %lt3A_31 = arith.cmpi slt, %add3A_29, %lt3A_30 : i32
      %convert_element_type3A_32 = arith.extui %lt3A_31 : i1 to i32
      %cond3A_33 = arith.constant 0 : i32
      %cond3A_34 = arith.cmpi ne, %convert_element_type3A_32, %cond3A_33 : i32
      scf.if %cond3A_34 {
        %add3A_41 = arith.constant 1 : i32
        %add3A_42 = arith.addi %add3A_27, %add3A_41 : i32
        %mul3A_43 = arith.constant 256 : i32
        %mul3A_44 = arith.muli %add3A_42, %mul3A_43 : i32
        %add3A_45 = arith.addi %mul3A_2, %mul3A_44 : i32
        "tpu.region"() ({
          %run_scoped3A = tpu.sem_alloc : memref<!tpu.dma_semaphore, #tpu.memory_space<semaphore_mem>>
          %dma_start3A_49 = tpu.memref_slice %arg3[%add3A_45] : memref<327680xi32, #tpu.memory_space<hbm>> -> memref<256xi32, #tpu.memory_space<hbm>>
          %dma_start3A_50 = tpu.memref_slice %arg3[%add3A_45] : memref<327680xi32, #tpu.memory_space<hbm>> -> memref<256xi32, #tpu.memory_space<hbm>>
          tpu.enqueue_dma source(%dma_start3A_50 : memref<256xi32, #tpu.memory_space<hbm>>) target(%arg5 : memref<256xi32, #tpu.memory_space<vmem>>) target_semaphore(%run_scoped3A : memref<!tpu.dma_semaphore, #tpu.memory_space<semaphore_mem>>)
          %dma_wait3A_51 = tpu.memref_slice %arg3[%add3A_45] : memref<327680xi32, #tpu.memory_space<hbm>> -> memref<256xi32, #tpu.memory_space<hbm>>
          %dma_wait3A_52 = tpu.memref_slice %arg3[%add3A_45] : memref<327680xi32, #tpu.memory_space<hbm>> -> memref<256xi32, #tpu.memory_space<hbm>>
          tpu.wait_dma2 semaphore(%run_scoped3A : memref<!tpu.dma_semaphore, #tpu.memory_space<semaphore_mem>>) src(%dma_wait3A_52 : memref<256xi32, #tpu.memory_space<hbm>>) dst(%arg5 : memref<256xi32, #tpu.memory_space<vmem>>)
          tpu.yield
        }) : () -> ()
        %dma_start3A_46 = arith.constant 0 : i32
        %dma_start3A_47 = arith.constant 0 : i32
        %dma_start3A_48 = tpu.memref_slice %arg2[%dma_start3A_46, %dma_start3A_47] : memref<16384x128xf32, #tpu.memory_space<hbm>> -> memref<16384x128xf32, #tpu.memory_space<hbm>>
        tpu.enqueue_indirect_dma source(%dma_start3A_48 : memref<16384x128xf32, #tpu.memory_space<hbm>>) target(%arg7 : memref<256x128xf32, #tpu.memory_space<vmem>>) offsets(%arg5 : memref<256xi32, #tpu.memory_space<vmem>>) semaphore(%arg9 : memref<!tpu.dma_semaphore, #tpu.memory_space<semaphore_mem>>)
      } else {
      }
      %dma_wait3A_35 = arith.constant 0 : i32
      %dma_wait3A_36 = arith.constant 0 : i32
      %dma_wait3A_37 = tpu.memref_slice %arg2[%dma_wait3A_35, %dma_wait3A_36] : memref<16384x128xf32, #tpu.memory_space<hbm>> -> memref<16384x128xf32, #tpu.memory_space<hbm>>
      tpu.wait_indirect_dma semaphore(%arg10 : memref<!tpu.dma_semaphore, #tpu.memory_space<semaphore_mem>>) src(%dma_wait3A_37 : memref<16384x128xf32, #tpu.memory_space<hbm>>) dst(%arg8 : memref<256x128xf32, #tpu.memory_space<vmem>>)
      %mul3A_38 = arith.constant 256 : i32
      %mul3A_39 = arith.muli %add3A_27, %mul3A_38 : i32
      %add3A_40 = arith.addi %mul3A_2, %mul3A_39 : i32
      "tpu.region"() ({
        %run_scoped3A = tpu.sem_alloc : memref<!tpu.dma_semaphore, #tpu.memory_space<semaphore_mem>>
        %dma_start3A_41 = arith.constant 0 : i32
        %dma_start3A_42 = tpu.memref_slice %arg4[%add3A_40, %dma_start3A_41] : memref<327680x128xf32, #tpu.memory_space<hbm>> -> memref<256x128xf32, #tpu.memory_space<hbm>>
        %dma_start3A_43 = arith.constant 0 : i32
        %dma_start3A_44 = tpu.memref_slice %arg4[%add3A_40, %dma_start3A_43] : memref<327680x128xf32, #tpu.memory_space<hbm>> -> memref<256x128xf32, #tpu.memory_space<hbm>>
        tpu.enqueue_dma source(%arg8 : memref<256x128xf32, #tpu.memory_space<vmem>>) target(%dma_start3A_44 : memref<256x128xf32, #tpu.memory_space<hbm>>) target_semaphore(%run_scoped3A : memref<!tpu.dma_semaphore, #tpu.memory_space<semaphore_mem>>)
        %dma_wait3A_45 = arith.constant 0 : i32
        %dma_wait3A_46 = tpu.memref_slice %arg4[%add3A_40, %dma_wait3A_45] : memref<327680x128xf32, #tpu.memory_space<hbm>> -> memref<256x128xf32, #tpu.memory_space<hbm>>
        %dma_wait3A_47 = arith.constant 0 : i32
        %dma_wait3A_48 = tpu.memref_slice %arg4[%add3A_40, %dma_wait3A_47] : memref<327680x128xf32, #tpu.memory_space<hbm>> -> memref<256x128xf32, #tpu.memory_space<hbm>>
        tpu.wait_dma2 semaphore(%run_scoped3A : memref<!tpu.dma_semaphore, #tpu.memory_space<semaphore_mem>>) src(%arg8 : memref<256x128xf32, #tpu.memory_space<vmem>>) dst(%dma_wait3A_48 : memref<256x128xf32, #tpu.memory_space<hbm>>)
        tpu.yield
      }) : () -> ()
    }
    %scan3A_9 = arith.constant 20 : i32
    return
  }
}

module attributes {stable_mosaic.version = 14 : i64} {
  func.func @_knn_body(%arg0: i32, %arg1: memref<1x512x13xf32, #tpu.memory_space<vmem>>, %arg2: memref<1x512x1xf32, #tpu.memory_space<vmem>>, %arg3: memref<1x1x512xf32, #tpu.memory_space<vmem>>, %arg4: memref<1x512x20xi32, #tpu.memory_space<vmem>>) attributes {dimension_semantics = [#tpu.dimension_semantics<arbitrary>], iteration_bounds = array<i64: 32>, scalar_prefetch = 0 : i64, scratch_operands = 0 : i64, tpu.core_type = #tpu.core_type<tc>, window_params = [{transform_indices = @transform_0, window_bounds = array<i64: 1, 512, 13>}, {transform_indices = @transform_1, window_bounds = array<i64: 1, 512, 1>}, {transform_indices = @transform_2, window_bounds = array<i64: 1, 1, 512>}, {transform_indices = @transform_3, window_bounds = array<i64: 1, 512, 20>}]} {
    %add3A = arith.constant 0 : i32
    %add3A_0 = arith.addi %arg0, %add3A : i32
    %get3A = arith.constant 0 : index
    %get3A_1 = arith.constant 0 : index
    %get3A_2 = arith.constant 0 : index
    %get3A_3 = vector.load %arg1[%get3A, %get3A_1, %get3A_2] : memref<1x512x13xf32, #tpu.memory_space<vmem>>, vector<1x512x13xf32>
    %get3A_4 = vector.shape_cast %get3A_3 : vector<1x512x13xf32> to vector<512x13xf32>
    %dot_general3A = arith.constant dense<0.000000e+00> : vector<512x512xf32>
    %dot_general3A_5 = tpu.matmul %get3A_4, %get3A_4, %dot_general3A {dimension_numbers = #tpu.dot_dimension_numbers<[1], [1], [0], [0], [0, 0, 1, 0], [], []>, transpose_lhs_hint = false} : vector<512x13xf32>, vector<512x13xf32>, vector<512x512xf32> -> vector<512x512xf32>
    %get3A_6 = arith.constant 0 : index
    %get3A_7 = arith.constant 0 : index
    %get3A_8 = arith.constant 0 : index
    %get3A_9 = vector.load %arg2[%get3A_6, %get3A_7, %get3A_8] : memref<1x512x1xf32, #tpu.memory_space<vmem>>, vector<1x512x1xf32>
    %get3A_10 = vector.shape_cast %get3A_9 : vector<1x512x1xf32> to vector<512x1xf32>
    %get3A_11 = arith.constant 0 : index
    %get3A_12 = arith.constant 0 : index
    %get3A_13 = arith.constant 0 : index
    %get3A_14 = vector.load %arg3[%get3A_11, %get3A_12, %get3A_13] : memref<1x1x512xf32, #tpu.memory_space<vmem>>, vector<1x1x512xf32>
    %get3A_15 = vector.shape_cast %get3A_14 : vector<1x1x512xf32> to vector<1x512xf32>
    %add3A_16 = vector.broadcast %get3A_10 : vector<512x1xf32> to vector<512x512xf32>
    %add3A_17 = vector.broadcast %get3A_15 : vector<1x512xf32> to vector<512x512xf32>
    %add3A_18 = arith.addf %add3A_16, %add3A_17 : vector<512x512xf32>
    %mul3A = arith.constant 2.000000e+00 : f32
    %mul3A_19 = vector.broadcast %mul3A : f32 to vector<512x512xf32>
    %mul3A_20 = arith.mulf %mul3A_19, %dot_general3A_5 : vector<512x512xf32>
    %sub3A = arith.subf %add3A_18, %mul3A_20 : vector<512x512xf32>
    %iota3A = tpu.iota {dimensions = array<i32: 1>} : vector<512x512xi32>
    %argmin3A = tpu.reduce_index %sub3A {axis = 1 : i32, kind = #tpu.reduction_kind<arg_min>} : vector<512x512xf32> -> vector<512xi32>
    %broadcast_in_dim3A = vector.shape_cast %argmin3A : vector<512xi32> to vector<512x1xi32>
    %eq3A = vector.broadcast %broadcast_in_dim3A : vector<512x1xi32> to vector<512x512xi32>
    %eq3A_21 = arith.cmpi eq, %iota3A, %eq3A : vector<512x512xi32>
    %jit3A = arith.constant 0x7F800000 : f32
    %broadcast_in_dim3A_22 = vector.broadcast %jit3A : f32 to vector<512x512xf32>
    %select_n3A = arith.select %eq3A_21, %broadcast_in_dim3A_22, %sub3A : vector<512x512xi1>, vector<512x512xf32>
    %argmin3A_23 = tpu.reduce_index %select_n3A {axis = 1 : i32, kind = #tpu.reduction_kind<arg_min>} : vector<512x512xf32> -> vector<512xi32>
    %broadcast_in_dim3A_24 = vector.shape_cast %argmin3A_23 : vector<512xi32> to vector<512x1xi32>
    %eq3A_25 = vector.broadcast %broadcast_in_dim3A_24 : vector<512x1xi32> to vector<512x512xi32>
    %eq3A_26 = arith.cmpi eq, %iota3A, %eq3A_25 : vector<512x512xi32>
    %jit3A_27 = arith.constant 0x7F800000 : f32
    %broadcast_in_dim3A_28 = vector.broadcast %jit3A_27 : f32 to vector<512x512xf32>
    %select_n3A_29 = arith.select %eq3A_26, %broadcast_in_dim3A_28, %select_n3A : vector<512x512xi1>, vector<512x512xf32>
    %argmin3A_30 = tpu.reduce_index %select_n3A_29 {axis = 1 : i32, kind = #tpu.reduction_kind<arg_min>} : vector<512x512xf32> -> vector<512xi32>
    %broadcast_in_dim3A_31 = vector.shape_cast %argmin3A_30 : vector<512xi32> to vector<512x1xi32>
    %eq3A_32 = vector.broadcast %broadcast_in_dim3A_31 : vector<512x1xi32> to vector<512x512xi32>
    %eq3A_33 = arith.cmpi eq, %iota3A, %eq3A_32 : vector<512x512xi32>
    %jit3A_34 = arith.constant 0x7F800000 : f32
    %broadcast_in_dim3A_35 = vector.broadcast %jit3A_34 : f32 to vector<512x512xf32>
    %select_n3A_36 = arith.select %eq3A_33, %broadcast_in_dim3A_35, %select_n3A_29 : vector<512x512xi1>, vector<512x512xf32>
    %argmin3A_37 = tpu.reduce_index %select_n3A_36 {axis = 1 : i32, kind = #tpu.reduction_kind<arg_min>} : vector<512x512xf32> -> vector<512xi32>
    %broadcast_in_dim3A_38 = vector.shape_cast %argmin3A_37 : vector<512xi32> to vector<512x1xi32>
    %eq3A_39 = vector.broadcast %broadcast_in_dim3A_38 : vector<512x1xi32> to vector<512x512xi32>
    %eq3A_40 = arith.cmpi eq, %iota3A, %eq3A_39 : vector<512x512xi32>
    %jit3A_41 = arith.constant 0x7F800000 : f32
    %broadcast_in_dim3A_42 = vector.broadcast %jit3A_41 : f32 to vector<512x512xf32>
    %select_n3A_43 = arith.select %eq3A_40, %broadcast_in_dim3A_42, %select_n3A_36 : vector<512x512xi1>, vector<512x512xf32>
    %argmin3A_44 = tpu.reduce_index %select_n3A_43 {axis = 1 : i32, kind = #tpu.reduction_kind<arg_min>} : vector<512x512xf32> -> vector<512xi32>
    %broadcast_in_dim3A_45 = vector.shape_cast %argmin3A_44 : vector<512xi32> to vector<512x1xi32>
    %eq3A_46 = vector.broadcast %broadcast_in_dim3A_45 : vector<512x1xi32> to vector<512x512xi32>
    %eq3A_47 = arith.cmpi eq, %iota3A, %eq3A_46 : vector<512x512xi32>
    %jit3A_48 = arith.constant 0x7F800000 : f32
    %broadcast_in_dim3A_49 = vector.broadcast %jit3A_48 : f32 to vector<512x512xf32>
    %select_n3A_50 = arith.select %eq3A_47, %broadcast_in_dim3A_49, %select_n3A_43 : vector<512x512xi1>, vector<512x512xf32>
    %argmin3A_51 = tpu.reduce_index %select_n3A_50 {axis = 1 : i32, kind = #tpu.reduction_kind<arg_min>} : vector<512x512xf32> -> vector<512xi32>
    %broadcast_in_dim3A_52 = vector.shape_cast %argmin3A_51 : vector<512xi32> to vector<512x1xi32>
    %eq3A_53 = vector.broadcast %broadcast_in_dim3A_52 : vector<512x1xi32> to vector<512x512xi32>
    %eq3A_54 = arith.cmpi eq, %iota3A, %eq3A_53 : vector<512x512xi32>
    %jit3A_55 = arith.constant 0x7F800000 : f32
    %broadcast_in_dim3A_56 = vector.broadcast %jit3A_55 : f32 to vector<512x512xf32>
    %select_n3A_57 = arith.select %eq3A_54, %broadcast_in_dim3A_56, %select_n3A_50 : vector<512x512xi1>, vector<512x512xf32>
    %argmin3A_58 = tpu.reduce_index %select_n3A_57 {axis = 1 : i32, kind = #tpu.reduction_kind<arg_min>} : vector<512x512xf32> -> vector<512xi32>
    %broadcast_in_dim3A_59 = vector.shape_cast %argmin3A_58 : vector<512xi32> to vector<512x1xi32>
    %eq3A_60 = vector.broadcast %broadcast_in_dim3A_59 : vector<512x1xi32> to vector<512x512xi32>
    %eq3A_61 = arith.cmpi eq, %iota3A, %eq3A_60 : vector<512x512xi32>
    %jit3A_62 = arith.constant 0x7F800000 : f32
    %broadcast_in_dim3A_63 = vector.broadcast %jit3A_62 : f32 to vector<512x512xf32>
    %select_n3A_64 = arith.select %eq3A_61, %broadcast_in_dim3A_63, %select_n3A_57 : vector<512x512xi1>, vector<512x512xf32>
    %argmin3A_65 = tpu.reduce_index %select_n3A_64 {axis = 1 : i32, kind = #tpu.reduction_kind<arg_min>} : vector<512x512xf32> -> vector<512xi32>
    %broadcast_in_dim3A_66 = vector.shape_cast %argmin3A_65 : vector<512xi32> to vector<512x1xi32>
    %eq3A_67 = vector.broadcast %broadcast_in_dim3A_66 : vector<512x1xi32> to vector<512x512xi32>
    %eq3A_68 = arith.cmpi eq, %iota3A, %eq3A_67 : vector<512x512xi32>
    %jit3A_69 = arith.constant 0x7F800000 : f32
    %broadcast_in_dim3A_70 = vector.broadcast %jit3A_69 : f32 to vector<512x512xf32>
    %select_n3A_71 = arith.select %eq3A_68, %broadcast_in_dim3A_70, %select_n3A_64 : vector<512x512xi1>, vector<512x512xf32>
    %argmin3A_72 = tpu.reduce_index %select_n3A_71 {axis = 1 : i32, kind = #tpu.reduction_kind<arg_min>} : vector<512x512xf32> -> vector<512xi32>
    %broadcast_in_dim3A_73 = vector.shape_cast %argmin3A_72 : vector<512xi32> to vector<512x1xi32>
    %eq3A_74 = vector.broadcast %broadcast_in_dim3A_73 : vector<512x1xi32> to vector<512x512xi32>
    %eq3A_75 = arith.cmpi eq, %iota3A, %eq3A_74 : vector<512x512xi32>
    %jit3A_76 = arith.constant 0x7F800000 : f32
    %broadcast_in_dim3A_77 = vector.broadcast %jit3A_76 : f32 to vector<512x512xf32>
    %select_n3A_78 = arith.select %eq3A_75, %broadcast_in_dim3A_77, %select_n3A_71 : vector<512x512xi1>, vector<512x512xf32>
    %argmin3A_79 = tpu.reduce_index %select_n3A_78 {axis = 1 : i32, kind = #tpu.reduction_kind<arg_min>} : vector<512x512xf32> -> vector<512xi32>
    %broadcast_in_dim3A_80 = vector.shape_cast %argmin3A_79 : vector<512xi32> to vector<512x1xi32>
    %eq3A_81 = vector.broadcast %broadcast_in_dim3A_80 : vector<512x1xi32> to vector<512x512xi32>
    %eq3A_82 = arith.cmpi eq, %iota3A, %eq3A_81 : vector<512x512xi32>
    %jit3A_83 = arith.constant 0x7F800000 : f32
    %broadcast_in_dim3A_84 = vector.broadcast %jit3A_83 : f32 to vector<512x512xf32>
    %select_n3A_85 = arith.select %eq3A_82, %broadcast_in_dim3A_84, %select_n3A_78 : vector<512x512xi1>, vector<512x512xf32>
    %argmin3A_86 = tpu.reduce_index %select_n3A_85 {axis = 1 : i32, kind = #tpu.reduction_kind<arg_min>} : vector<512x512xf32> -> vector<512xi32>
    %broadcast_in_dim3A_87 = vector.shape_cast %argmin3A_86 : vector<512xi32> to vector<512x1xi32>
    %eq3A_88 = vector.broadcast %broadcast_in_dim3A_87 : vector<512x1xi32> to vector<512x512xi32>
    %eq3A_89 = arith.cmpi eq, %iota3A, %eq3A_88 : vector<512x512xi32>
    %jit3A_90 = arith.constant 0x7F800000 : f32
    %broadcast_in_dim3A_91 = vector.broadcast %jit3A_90 : f32 to vector<512x512xf32>
    %select_n3A_92 = arith.select %eq3A_89, %broadcast_in_dim3A_91, %select_n3A_85 : vector<512x512xi1>, vector<512x512xf32>
    %argmin3A_93 = tpu.reduce_index %select_n3A_92 {axis = 1 : i32, kind = #tpu.reduction_kind<arg_min>} : vector<512x512xf32> -> vector<512xi32>
    %broadcast_in_dim3A_94 = vector.shape_cast %argmin3A_93 : vector<512xi32> to vector<512x1xi32>
    %eq3A_95 = vector.broadcast %broadcast_in_dim3A_94 : vector<512x1xi32> to vector<512x512xi32>
    %eq3A_96 = arith.cmpi eq, %iota3A, %eq3A_95 : vector<512x512xi32>
    %jit3A_97 = arith.constant 0x7F800000 : f32
    %broadcast_in_dim3A_98 = vector.broadcast %jit3A_97 : f32 to vector<512x512xf32>
    %select_n3A_99 = arith.select %eq3A_96, %broadcast_in_dim3A_98, %select_n3A_92 : vector<512x512xi1>, vector<512x512xf32>
    %argmin3A_100 = tpu.reduce_index %select_n3A_99 {axis = 1 : i32, kind = #tpu.reduction_kind<arg_min>} : vector<512x512xf32> -> vector<512xi32>
    %broadcast_in_dim3A_101 = vector.shape_cast %argmin3A_100 : vector<512xi32> to vector<512x1xi32>
    %eq3A_102 = vector.broadcast %broadcast_in_dim3A_101 : vector<512x1xi32> to vector<512x512xi32>
    %eq3A_103 = arith.cmpi eq, %iota3A, %eq3A_102 : vector<512x512xi32>
    %jit3A_104 = arith.constant 0x7F800000 : f32
    %broadcast_in_dim3A_105 = vector.broadcast %jit3A_104 : f32 to vector<512x512xf32>
    %select_n3A_106 = arith.select %eq3A_103, %broadcast_in_dim3A_105, %select_n3A_99 : vector<512x512xi1>, vector<512x512xf32>
    %argmin3A_107 = tpu.reduce_index %select_n3A_106 {axis = 1 : i32, kind = #tpu.reduction_kind<arg_min>} : vector<512x512xf32> -> vector<512xi32>
    %broadcast_in_dim3A_108 = vector.shape_cast %argmin3A_107 : vector<512xi32> to vector<512x1xi32>
    %eq3A_109 = vector.broadcast %broadcast_in_dim3A_108 : vector<512x1xi32> to vector<512x512xi32>
    %eq3A_110 = arith.cmpi eq, %iota3A, %eq3A_109 : vector<512x512xi32>
    %jit3A_111 = arith.constant 0x7F800000 : f32
    %broadcast_in_dim3A_112 = vector.broadcast %jit3A_111 : f32 to vector<512x512xf32>
    %select_n3A_113 = arith.select %eq3A_110, %broadcast_in_dim3A_112, %select_n3A_106 : vector<512x512xi1>, vector<512x512xf32>
    %argmin3A_114 = tpu.reduce_index %select_n3A_113 {axis = 1 : i32, kind = #tpu.reduction_kind<arg_min>} : vector<512x512xf32> -> vector<512xi32>
    %broadcast_in_dim3A_115 = vector.shape_cast %argmin3A_114 : vector<512xi32> to vector<512x1xi32>
    %eq3A_116 = vector.broadcast %broadcast_in_dim3A_115 : vector<512x1xi32> to vector<512x512xi32>
    %eq3A_117 = arith.cmpi eq, %iota3A, %eq3A_116 : vector<512x512xi32>
    %jit3A_118 = arith.constant 0x7F800000 : f32
    %broadcast_in_dim3A_119 = vector.broadcast %jit3A_118 : f32 to vector<512x512xf32>
    %select_n3A_120 = arith.select %eq3A_117, %broadcast_in_dim3A_119, %select_n3A_113 : vector<512x512xi1>, vector<512x512xf32>
    %argmin3A_121 = tpu.reduce_index %select_n3A_120 {axis = 1 : i32, kind = #tpu.reduction_kind<arg_min>} : vector<512x512xf32> -> vector<512xi32>
    %broadcast_in_dim3A_122 = vector.shape_cast %argmin3A_121 : vector<512xi32> to vector<512x1xi32>
    %eq3A_123 = vector.broadcast %broadcast_in_dim3A_122 : vector<512x1xi32> to vector<512x512xi32>
    %eq3A_124 = arith.cmpi eq, %iota3A, %eq3A_123 : vector<512x512xi32>
    %jit3A_125 = arith.constant 0x7F800000 : f32
    %broadcast_in_dim3A_126 = vector.broadcast %jit3A_125 : f32 to vector<512x512xf32>
    %select_n3A_127 = arith.select %eq3A_124, %broadcast_in_dim3A_126, %select_n3A_120 : vector<512x512xi1>, vector<512x512xf32>
    %argmin3A_128 = tpu.reduce_index %select_n3A_127 {axis = 1 : i32, kind = #tpu.reduction_kind<arg_min>} : vector<512x512xf32> -> vector<512xi32>
    %broadcast_in_dim3A_129 = vector.shape_cast %argmin3A_128 : vector<512xi32> to vector<512x1xi32>
    %eq3A_130 = vector.broadcast %broadcast_in_dim3A_129 : vector<512x1xi32> to vector<512x512xi32>
    %eq3A_131 = arith.cmpi eq, %iota3A, %eq3A_130 : vector<512x512xi32>
    %jit3A_132 = arith.constant 0x7F800000 : f32
    %broadcast_in_dim3A_133 = vector.broadcast %jit3A_132 : f32 to vector<512x512xf32>
    %select_n3A_134 = arith.select %eq3A_131, %broadcast_in_dim3A_133, %select_n3A_127 : vector<512x512xi1>, vector<512x512xf32>
    %argmin3A_135 = tpu.reduce_index %select_n3A_134 {axis = 1 : i32, kind = #tpu.reduction_kind<arg_min>} : vector<512x512xf32> -> vector<512xi32>
    %broadcast_in_dim3A_136 = vector.shape_cast %argmin3A_135 : vector<512xi32> to vector<512x1xi32>
    %eq3A_137 = vector.broadcast %broadcast_in_dim3A_136 : vector<512x1xi32> to vector<512x512xi32>
    %eq3A_138 = arith.cmpi eq, %iota3A, %eq3A_137 : vector<512x512xi32>
    %jit3A_139 = arith.constant 0x7F800000 : f32
    %broadcast_in_dim3A_140 = vector.broadcast %jit3A_139 : f32 to vector<512x512xf32>
    %select_n3A_141 = arith.select %eq3A_138, %broadcast_in_dim3A_140, %select_n3A_134 : vector<512x512xi1>, vector<512x512xf32>
    %argmin3A_142 = tpu.reduce_index %select_n3A_141 {axis = 1 : i32, kind = #tpu.reduction_kind<arg_min>} : vector<512x512xf32> -> vector<512xi32>
    %broadcast_in_dim3A_143 = vector.shape_cast %argmin3A_142 : vector<512xi32> to vector<512x1xi32>
    %eq3A_144 = vector.broadcast %broadcast_in_dim3A_143 : vector<512x1xi32> to vector<512x512xi32>
    %eq3A_145 = arith.cmpi eq, %iota3A, %eq3A_144 : vector<512x512xi32>
    %jit3A_146 = arith.constant 0x7F800000 : f32
    %broadcast_in_dim3A_147 = vector.broadcast %jit3A_146 : f32 to vector<512x512xf32>
    %select_n3A_148 = arith.select %eq3A_145, %broadcast_in_dim3A_147, %select_n3A_141 : vector<512x512xi1>, vector<512x512xf32>
    %argmin3A_149 = tpu.reduce_index %select_n3A_148 {axis = 1 : i32, kind = #tpu.reduction_kind<arg_min>} : vector<512x512xf32> -> vector<512xi32>
    %broadcast_in_dim3A_150 = vector.shape_cast %argmin3A_149 : vector<512xi32> to vector<512x1xi32>
    %concatenate3A = tpu.concatenate %broadcast_in_dim3A, %broadcast_in_dim3A_24, %broadcast_in_dim3A_31, %broadcast_in_dim3A_38, %broadcast_in_dim3A_45, %broadcast_in_dim3A_52, %broadcast_in_dim3A_59, %broadcast_in_dim3A_66, %broadcast_in_dim3A_73, %broadcast_in_dim3A_80, %broadcast_in_dim3A_87, %broadcast_in_dim3A_94, %broadcast_in_dim3A_101, %broadcast_in_dim3A_108, %broadcast_in_dim3A_115, %broadcast_in_dim3A_122, %broadcast_in_dim3A_129, %broadcast_in_dim3A_136, %broadcast_in_dim3A_143, %broadcast_in_dim3A_150 in 1 : vector<512x1xi32>, vector<512x1xi32>, vector<512x1xi32>, vector<512x1xi32>, vector<512x1xi32>, vector<512x1xi32>, vector<512x1xi32>, vector<512x1xi32>, vector<512x1xi32>, vector<512x1xi32>, vector<512x1xi32>, vector<512x1xi32>, vector<512x1xi32>, vector<512x1xi32>, vector<512x1xi32>, vector<512x1xi32>, vector<512x1xi32>, vector<512x1xi32>, vector<512x1xi32>, vector<512x1xi32> -> vector<512x20xi32>
    %mul3A_151 = arith.constant 512 : i32
    %mul3A_152 = arith.muli %add3A_0, %mul3A_151 : i32
    %add3A_153 = vector.broadcast %mul3A_152 : i32 to vector<512x20xi32>
    %add3A_154 = arith.addi %concatenate3A, %add3A_153 : vector<512x20xi32>
    %swap3A = arith.constant 0 : index
    %swap3A_155 = arith.constant 0 : index
    %swap3A_156 = arith.constant 0 : index
    %swap3A_157 = vector.load %arg4[%swap3A, %swap3A_155, %swap3A_156] : memref<1x512x20xi32, #tpu.memory_space<vmem>>, vector<1x512x20xi32>
    %swap3A_158 = vector.shape_cast %swap3A_157 : vector<1x512x20xi32> to vector<512x20xi32>
    %swap3A_159 = vector.shape_cast %add3A_154 : vector<512x20xi32> to vector<1x512x20xi32>
    tpu.vector_store %arg4[%swap3A, %swap3A_155, %swap3A_156], %swap3A_159 {strides = array<i32>} : memref<1x512x20xi32, #tpu.memory_space<vmem>>, vector<1x512x20xi32>,
    return
  }
  func.func @transform_0(%arg0: i32) -> (i32, i32, i32) {
    %c0_i32 = arith.constant 0 : i32
    %c0_i32_0 = arith.constant 0 : i32
    %c0_i32_1 = arith.constant 0 : i32
    return %arg0, %c0_i32, %c0_i32_0 : i32, i32, i32
  }
  func.func @transform_1(%arg0: i32) -> (i32, i32, i32) {
    %c0_i32 = arith.constant 0 : i32
    %c0_i32_0 = arith.constant 0 : i32
    %c0_i32_1 = arith.constant 0 : i32
    return %arg0, %c0_i32, %c0_i32_0 : i32, i32, i32
  }
  func.func @transform_2(%arg0: i32) -> (i32, i32, i32) {
    %c0_i32 = arith.constant 0 : i32
    %c0_i32_0 = arith.constant 0 : i32
    %c0_i32_1 = arith.constant 0 : i32
    return %arg0, %c0_i32, %c0_i32_0 : i32, i32, i32
  }
  func.func @transform_3(%arg0: i32) -> (i32, i32, i32) {
    %c0_i32 = arith.constant 0 : i32
    %c0_i32_0 = arith.constant 0 : i32
    %c0_i32_1 = arith.constant 0 : i32
    return %arg0, %c0_i32, %c0_i32_0 : i32, i32, i32
  }
}

module attributes {stable_mosaic.version = 14 : i64} {
  func.func @_edge_mlp_body(%arg0: i32, %arg1: i32, %arg2: memref<1x512x13xf32, #tpu.memory_space<vmem>>, %arg3: memref<1x10240x128xf32, #tpu.memory_space<vmem>>, %arg4: memref<26x6xf32, #tpu.memory_space<vmem>>, %arg5: memref<1x6xf32, #tpu.memory_space<vmem>>, %arg6: memref<6x64xf32, #tpu.memory_space<vmem>>, %arg7: memref<1x64xf32, #tpu.memory_space<vmem>>, %arg8: memref<1x512x64xf32, #tpu.memory_space<vmem>>) attributes {dimension_semantics = [#tpu.dimension_semantics<arbitrary>, #tpu.dimension_semantics<arbitrary>], iteration_bounds = array<i64: 32, 1>, scalar_prefetch = 0 : i64, scratch_operands = 0 : i64, tpu.core_type = #tpu.core_type<tc>, window_params = [{transform_indices = @transform_0, window_bounds = array<i64: 1, 512, 13>}, {transform_indices = @transform_1, window_bounds = array<i64: 1, 10240, 128>}, {pipeline_mode = #tpu.pipeline_mode<synchronous>, transform_indices = @transform_2, window_bounds = array<i64: 26, 6>}, {pipeline_mode = #tpu.pipeline_mode<synchronous>, transform_indices = @transform_3, window_bounds = array<i64: 1, 6>}, {pipeline_mode = #tpu.pipeline_mode<synchronous>, transform_indices = @transform_4, window_bounds = array<i64: 6, 64>}, {pipeline_mode = #tpu.pipeline_mode<synchronous>, transform_indices = @transform_5, window_bounds = array<i64: 1, 64>}, {transform_indices = @transform_6, window_bounds = array<i64: 1, 512, 64>}]} {
    %get3A = arith.constant 0 : index
    %get3A_0 = arith.constant 0 : index
    %get3A_1 = arith.constant 0 : index
    %get3A_2 = vector.load %arg2[%get3A, %get3A_0, %get3A_1] : memref<1x512x13xf32, #tpu.memory_space<vmem>>, vector<1x512x13xf32>
    %get3A_3 = vector.shape_cast %get3A_2 : vector<1x512x13xf32> to vector<512x13xf32>
    %get3A_4 = arith.constant 0 : index
    %get3A_5 = arith.constant 0 : index
    %get3A_6 = arith.constant 0 : index
    %get3A_7 = vector.load %arg3[%get3A_4, %get3A_5, %get3A_6] : memref<1x10240x128xf32, #tpu.memory_space<vmem>>, vector<1x10240x128xf32>
    %get3A_8 = vector.shape_cast %get3A_7 : vector<1x10240x128xf32> to vector<10240x128xf32>
    %slice3A = vector.extract_strided_slice %get3A_8 {offsets = [0, 0], sizes = [10240, 13], strides = [1, 1]} : vector<10240x128xf32> to vector<10240x13xf32>
    %broadcast_in_dim3A = vector.shape_cast %get3A_3 : vector<512x13xf32> to vector<512x1x13xf32>
    %broadcast_in_dim3A_9 = vector.shape_cast %broadcast_in_dim3A : vector<512x1x13xf32> to vector<512x1x13xf32>
    %broadcast_in_dim3A_10 = vector.broadcast %broadcast_in_dim3A_9 : vector<512x1x13xf32> to vector<512x20x13xf32>
    %reshape3A = vector.shape_cast %broadcast_in_dim3A_10 : vector<512x20x13xf32> to vector<10240x13xf32>
    %sub3A = arith.subf %slice3A, %reshape3A : vector<10240x13xf32>
    %concatenate3A = tpu.concatenate %reshape3A, %sub3A in 1 : vector<10240x13xf32>, vector<10240x13xf32> -> vector<10240x26xf32>
    %get3A_11 = arith.constant 0 : index
    %get3A_12 = arith.constant 0 : index
    %get3A_13 = vector.load %arg4[%get3A_11, %get3A_12] : memref<26x6xf32, #tpu.memory_space<vmem>>, vector<26x6xf32>
    %dot_general3A = arith.constant dense<0.000000e+00> : vector<10240x6xf32>
    %dot_general3A_14 = tpu.matmul %concatenate3A, %get3A_13, %dot_general3A {dimension_numbers = #tpu.dot_dimension_numbers<[1], [0], [0], [1], [0, 0, 1, 1], [], []>, transpose_lhs_hint = false} : vector<10240x26xf32>, vector<26x6xf32>, vector<10240x6xf32> -> vector<10240x6xf32>
    %get3A_15 = arith.constant 0 : index
    %get3A_16 = arith.constant 0 : index
    %get3A_17 = vector.load %arg5[%get3A_15, %get3A_16] : memref<1x6xf32, #tpu.memory_space<vmem>>, vector<1x6xf32>
    %add3A = vector.broadcast %get3A_17 : vector<1x6xf32> to vector<10240x6xf32>
    %add3A_18 = arith.addf %dot_general3A_14, %add3A : vector<10240x6xf32>
    %gt3A = arith.constant 0.000000e+00 : f32
    %gt3A_19 = vector.broadcast %gt3A : f32 to vector<10240x6xf32>
    %gt3A_20 = arith.cmpf ogt, %add3A_18, %gt3A_19 : vector<10240x6xf32>
    %min3A = arith.constant 0.000000e+00 : f32
    %min3A_21 = vector.broadcast %min3A : f32 to vector<10240x6xf32>
    %min3A_22 = arith.minimumf %add3A_18, %min3A_21 : vector<10240x6xf32>
    %exp3A = math.exp %min3A_22 : vector<10240x6xf32>
    %sub3A_23 = arith.constant 1.000000e+00 : f32
    %sub3A_24 = vector.broadcast %sub3A_23 : f32 to vector<10240x6xf32>
    %sub3A_25 = arith.subf %exp3A, %sub3A_24 : vector<10240x6xf32>
    %select_n3A = arith.select %gt3A_20, %add3A_18, %sub3A_25 : vector<10240x6xi1>, vector<10240x6xf32>
    %get3A_26 = arith.constant 0 : index
    %get3A_27 = arith.constant 0 : index
    %get3A_28 = vector.load %arg6[%get3A_26, %get3A_27] : memref<6x64xf32, #tpu.memory_space<vmem>>, vector<6x64xf32>
    %dot_general3A_29 = arith.constant dense<0.000000e+00> : vector<10240x64xf32>
    %dot_general3A_30 = tpu.matmul %select_n3A, %get3A_28, %dot_general3A_29 {dimension_numbers = #tpu.dot_dimension_numbers<[1], [0], [0], [1], [0, 0, 1, 1], [], []>, transpose_lhs_hint = false} : vector<10240x6xf32>, vector<6x64xf32>, vector<10240x64xf32> -> vector<10240x64xf32>
    %get3A_31 = arith.constant 0 : index
    %get3A_32 = arith.constant 0 : index
    %get3A_33 = vector.load %arg7[%get3A_31, %get3A_32] : memref<1x64xf32, #tpu.memory_space<vmem>>, vector<1x64xf32>
    %add3A_34 = vector.broadcast %get3A_33 : vector<1x64xf32> to vector<10240x64xf32>
    %add3A_35 = arith.addf %dot_general3A_30, %add3A_34 : vector<10240x64xf32>
    %reshape3A_36 = vector.shape_cast %add3A_35 : vector<10240x64xf32> to vector<512x20x64xf32>
    %reduce_max3A = arith.constant dense<0xFF800000> : vector<512x64xf32>
    %reduce_max3A_37 = vector.multi_reduction <maximumf>, %reshape3A_36, %reduce_max3A [1] : vector<512x20x64xf32> to vector<512x64xf32>
    %gt3A_38 = arith.constant 0.000000e+00 : f32
    %gt3A_39 = vector.broadcast %gt3A_38 : f32 to vector<512x64xf32>
    %gt3A_40 = arith.cmpf ogt, %reduce_max3A_37, %gt3A_39 : vector<512x64xf32>
    %min3A_41 = arith.constant 0.000000e+00 : f32
    %min3A_42 = vector.broadcast %min3A_41 : f32 to vector<512x64xf32>
    %min3A_43 = arith.minimumf %reduce_max3A_37, %min3A_42 : vector<512x64xf32>
    %exp3A_44 = math.exp %min3A_43 : vector<512x64xf32>
    %sub3A_45 = arith.constant 1.000000e+00 : f32
    %sub3A_46 = vector.broadcast %sub3A_45 : f32 to vector<512x64xf32>
    %sub3A_47 = arith.subf %exp3A_44, %sub3A_46 : vector<512x64xf32>
    %select_n3A_48 = arith.select %gt3A_40, %reduce_max3A_37, %sub3A_47 : vector<512x64xi1>, vector<512x64xf32>
    %swap3A = arith.constant 0 : index
    %swap3A_49 = arith.constant 0 : index
    %swap3A_50 = arith.constant 0 : index
    %swap3A_51 = vector.load %arg8[%swap3A, %swap3A_49, %swap3A_50] : memref<1x512x64xf32, #tpu.memory_space<vmem>>, vector<1x512x64xf32>
    %swap3A_52 = vector.shape_cast %swap3A_51 : vector<1x512x64xf32> to vector<512x64xf32>
    %swap3A_53 = vector.shape_cast %select_n3A_48 : vector<512x64xf32> to vector<1x512x64xf32>
    tpu.vector_store %arg8[%swap3A, %swap3A_49, %swap3A_50], %swap3A_53 {strides = array<i32>} : memref<1x512x64xf32, #tpu.memory_space<vmem>>, vector<1x512x64xf32>,
    return
  }
  func.func @transform_0(%arg0: i32, %arg1: i32) -> (i32, i32, i32) {
    %c0_i32 = arith.constant 0 : i32
    %c0_i32_0 = arith.constant 0 : i32
    return %arg0, %arg1, %c0_i32 : i32, i32, i32
  }
  func.func @transform_1(%arg0: i32, %arg1: i32) -> (i32, i32, i32) {
    %c0_i32 = arith.constant 0 : i32
    %c0_i32_0 = arith.constant 0 : i32
    return %arg0, %arg1, %c0_i32 : i32, i32, i32
  }
  func.func @transform_2(%arg0: i32, %arg1: i32) -> (i32, i32) {
    %c0_i32 = arith.constant 0 : i32
    %c0_i32_0 = arith.constant 0 : i32
    %c0_i32_1 = arith.constant 0 : i32
    return %c0_i32, %c0_i32_0 : i32, i32
  }
  func.func @transform_3(%arg0: i32, %arg1: i32) -> (i32, i32) {
    %c0_i32 = arith.constant 0 : i32
    %c0_i32_0 = arith.constant 0 : i32
    %c0_i32_1 = arith.constant 0 : i32
    return %c0_i32, %c0_i32_0 : i32, i32
  }
  func.func @transform_4(%arg0: i32, %arg1: i32) -> (i32, i32) {
    %c0_i32 = arith.constant 0 : i32
    %c0_i32_0 = arith.constant 0 : i32
    %c0_i32_1 = arith.constant 0 : i32
    return %c0_i32, %c0_i32_0 : i32, i32
  }
  func.func @transform_5(%arg0: i32, %arg1: i32) -> (i32, i32) {
    %c0_i32 = arith.constant 0 : i32
    %c0_i32_0 = arith.constant 0 : i32
    %c0_i32_1 = arith.constant 0 : i32
    return %c0_i32, %c0_i32_0 : i32, i32
  }
  func.func @transform_6(%arg0: i32, %arg1: i32) -> (i32, i32, i32) {
    %c0_i32 = arith.constant 0 : i32
    %c0_i32_0 = arith.constant 0 : i32
    return %arg0, %arg1, %c0_i32 : i32, i32, i32
  }
}

module attributes {stable_mosaic.version = 14 : i64} {
  func.func @_knn_body(%arg0: i32, %arg1: memref<1x512x74xf32, #tpu.memory_space<vmem>>, %arg2: memref<1x512x1xf32, #tpu.memory_space<vmem>>, %arg3: memref<1x1x512xf32, #tpu.memory_space<vmem>>, %arg4: memref<1x512x20xi32, #tpu.memory_space<vmem>>) attributes {dimension_semantics = [#tpu.dimension_semantics<arbitrary>], iteration_bounds = array<i64: 32>, scalar_prefetch = 0 : i64, scratch_operands = 0 : i64, tpu.core_type = #tpu.core_type<tc>, window_params = [{transform_indices = @transform_0, window_bounds = array<i64: 1, 512, 74>}, {transform_indices = @transform_1, window_bounds = array<i64: 1, 512, 1>}, {transform_indices = @transform_2, window_bounds = array<i64: 1, 1, 512>}, {transform_indices = @transform_3, window_bounds = array<i64: 1, 512, 20>}]} {
    %add3A = arith.constant 0 : i32
    %add3A_0 = arith.addi %arg0, %add3A : i32
    %get3A = arith.constant 0 : index
    %get3A_1 = arith.constant 0 : index
    %get3A_2 = arith.constant 0 : index
    %get3A_3 = vector.load %arg1[%get3A, %get3A_1, %get3A_2] : memref<1x512x74xf32, #tpu.memory_space<vmem>>, vector<1x512x74xf32>
    %get3A_4 = vector.shape_cast %get3A_3 : vector<1x512x74xf32> to vector<512x74xf32>
    %dot_general3A = arith.constant dense<0.000000e+00> : vector<512x512xf32>
    %dot_general3A_5 = tpu.matmul %get3A_4, %get3A_4, %dot_general3A {dimension_numbers = #tpu.dot_dimension_numbers<[1], [1], [0], [0], [0, 0, 1, 0], [], []>, transpose_lhs_hint = false} : vector<512x74xf32>, vector<512x74xf32>, vector<512x512xf32> -> vector<512x512xf32>
    %get3A_6 = arith.constant 0 : index
    %get3A_7 = arith.constant 0 : index
    %get3A_8 = arith.constant 0 : index
    %get3A_9 = vector.load %arg2[%get3A_6, %get3A_7, %get3A_8] : memref<1x512x1xf32, #tpu.memory_space<vmem>>, vector<1x512x1xf32>
    %get3A_10 = vector.shape_cast %get3A_9 : vector<1x512x1xf32> to vector<512x1xf32>
    %get3A_11 = arith.constant 0 : index
    %get3A_12 = arith.constant 0 : index
    %get3A_13 = arith.constant 0 : index
    %get3A_14 = vector.load %arg3[%get3A_11, %get3A_12, %get3A_13] : memref<1x1x512xf32, #tpu.memory_space<vmem>>, vector<1x1x512xf32>
    %get3A_15 = vector.shape_cast %get3A_14 : vector<1x1x512xf32> to vector<1x512xf32>
    %add3A_16 = vector.broadcast %get3A_10 : vector<512x1xf32> to vector<512x512xf32>
    %add3A_17 = vector.broadcast %get3A_15 : vector<1x512xf32> to vector<512x512xf32>
    %add3A_18 = arith.addf %add3A_16, %add3A_17 : vector<512x512xf32>
    %mul3A = arith.constant 2.000000e+00 : f32
    %mul3A_19 = vector.broadcast %mul3A : f32 to vector<512x512xf32>
    %mul3A_20 = arith.mulf %mul3A_19, %dot_general3A_5 : vector<512x512xf32>
    %sub3A = arith.subf %add3A_18, %mul3A_20 : vector<512x512xf32>
    %iota3A = tpu.iota {dimensions = array<i32: 1>} : vector<512x512xi32>
    %argmin3A = tpu.reduce_index %sub3A {axis = 1 : i32, kind = #tpu.reduction_kind<arg_min>} : vector<512x512xf32> -> vector<512xi32>
    %broadcast_in_dim3A = vector.shape_cast %argmin3A : vector<512xi32> to vector<512x1xi32>
    %eq3A = vector.broadcast %broadcast_in_dim3A : vector<512x1xi32> to vector<512x512xi32>
    %eq3A_21 = arith.cmpi eq, %iota3A, %eq3A : vector<512x512xi32>
    %jit3A = arith.constant 0x7F800000 : f32
    %broadcast_in_dim3A_22 = vector.broadcast %jit3A : f32 to vector<512x512xf32>
    %select_n3A = arith.select %eq3A_21, %broadcast_in_dim3A_22, %sub3A : vector<512x512xi1>, vector<512x512xf32>
    %argmin3A_23 = tpu.reduce_index %select_n3A {axis = 1 : i32, kind = #tpu.reduction_kind<arg_min>} : vector<512x512xf32> -> vector<512xi32>
    %broadcast_in_dim3A_24 = vector.shape_cast %argmin3A_23 : vector<512xi32> to vector<512x1xi32>
    %eq3A_25 = vector.broadcast %broadcast_in_dim3A_24 : vector<512x1xi32> to vector<512x512xi32>
    %eq3A_26 = arith.cmpi eq, %iota3A, %eq3A_25 : vector<512x512xi32>
    %jit3A_27 = arith.constant 0x7F800000 : f32
    %broadcast_in_dim3A_28 = vector.broadcast %jit3A_27 : f32 to vector<512x512xf32>
    %select_n3A_29 = arith.select %eq3A_26, %broadcast_in_dim3A_28, %select_n3A : vector<512x512xi1>, vector<512x512xf32>
    %argmin3A_30 = tpu.reduce_index %select_n3A_29 {axis = 1 : i32, kind = #tpu.reduction_kind<arg_min>} : vector<512x512xf32> -> vector<512xi32>
    %broadcast_in_dim3A_31 = vector.shape_cast %argmin3A_30 : vector<512xi32> to vector<512x1xi32>
    %eq3A_32 = vector.broadcast %broadcast_in_dim3A_31 : vector<512x1xi32> to vector<512x512xi32>
    %eq3A_33 = arith.cmpi eq, %iota3A, %eq3A_32 : vector<512x512xi32>
    %jit3A_34 = arith.constant 0x7F800000 : f32
    %broadcast_in_dim3A_35 = vector.broadcast %jit3A_34 : f32 to vector<512x512xf32>
    %select_n3A_36 = arith.select %eq3A_33, %broadcast_in_dim3A_35, %select_n3A_29 : vector<512x512xi1>, vector<512x512xf32>
    %argmin3A_37 = tpu.reduce_index %select_n3A_36 {axis = 1 : i32, kind = #tpu.reduction_kind<arg_min>} : vector<512x512xf32> -> vector<512xi32>
    %broadcast_in_dim3A_38 = vector.shape_cast %argmin3A_37 : vector<512xi32> to vector<512x1xi32>
    %eq3A_39 = vector.broadcast %broadcast_in_dim3A_38 : vector<512x1xi32> to vector<512x512xi32>
    %eq3A_40 = arith.cmpi eq, %iota3A, %eq3A_39 : vector<512x512xi32>
    %jit3A_41 = arith.constant 0x7F800000 : f32
    %broadcast_in_dim3A_42 = vector.broadcast %jit3A_41 : f32 to vector<512x512xf32>
    %select_n3A_43 = arith.select %eq3A_40, %broadcast_in_dim3A_42, %select_n3A_36 : vector<512x512xi1>, vector<512x512xf32>
    %argmin3A_44 = tpu.reduce_index %select_n3A_43 {axis = 1 : i32, kind = #tpu.reduction_kind<arg_min>} : vector<512x512xf32> -> vector<512xi32>
    %broadcast_in_dim3A_45 = vector.shape_cast %argmin3A_44 : vector<512xi32> to vector<512x1xi32>
    %eq3A_46 = vector.broadcast %broadcast_in_dim3A_45 : vector<512x1xi32> to vector<512x512xi32>
    %eq3A_47 = arith.cmpi eq, %iota3A, %eq3A_46 : vector<512x512xi32>
    %jit3A_48 = arith.constant 0x7F800000 : f32
    %broadcast_in_dim3A_49 = vector.broadcast %jit3A_48 : f32 to vector<512x512xf32>
    %select_n3A_50 = arith.select %eq3A_47, %broadcast_in_dim3A_49, %select_n3A_43 : vector<512x512xi1>, vector<512x512xf32>
    %argmin3A_51 = tpu.reduce_index %select_n3A_50 {axis = 1 : i32, kind = #tpu.reduction_kind<arg_min>} : vector<512x512xf32> -> vector<512xi32>
    %broadcast_in_dim3A_52 = vector.shape_cast %argmin3A_51 : vector<512xi32> to vector<512x1xi32>
    %eq3A_53 = vector.broadcast %broadcast_in_dim3A_52 : vector<512x1xi32> to vector<512x512xi32>
    %eq3A_54 = arith.cmpi eq, %iota3A, %eq3A_53 : vector<512x512xi32>
    %jit3A_55 = arith.constant 0x7F800000 : f32
    %broadcast_in_dim3A_56 = vector.broadcast %jit3A_55 : f32 to vector<512x512xf32>
    %select_n3A_57 = arith.select %eq3A_54, %broadcast_in_dim3A_56, %select_n3A_50 : vector<512x512xi1>, vector<512x512xf32>
    %argmin3A_58 = tpu.reduce_index %select_n3A_57 {axis = 1 : i32, kind = #tpu.reduction_kind<arg_min>} : vector<512x512xf32> -> vector<512xi32>
    %broadcast_in_dim3A_59 = vector.shape_cast %argmin3A_58 : vector<512xi32> to vector<512x1xi32>
    %eq3A_60 = vector.broadcast %broadcast_in_dim3A_59 : vector<512x1xi32> to vector<512x512xi32>
    %eq3A_61 = arith.cmpi eq, %iota3A, %eq3A_60 : vector<512x512xi32>
    %jit3A_62 = arith.constant 0x7F800000 : f32
    %broadcast_in_dim3A_63 = vector.broadcast %jit3A_62 : f32 to vector<512x512xf32>
    %select_n3A_64 = arith.select %eq3A_61, %broadcast_in_dim3A_63, %select_n3A_57 : vector<512x512xi1>, vector<512x512xf32>
    %argmin3A_65 = tpu.reduce_index %select_n3A_64 {axis = 1 : i32, kind = #tpu.reduction_kind<arg_min>} : vector<512x512xf32> -> vector<512xi32>
    %broadcast_in_dim3A_66 = vector.shape_cast %argmin3A_65 : vector<512xi32> to vector<512x1xi32>
    %eq3A_67 = vector.broadcast %broadcast_in_dim3A_66 : vector<512x1xi32> to vector<512x512xi32>
    %eq3A_68 = arith.cmpi eq, %iota3A, %eq3A_67 : vector<512x512xi32>
    %jit3A_69 = arith.constant 0x7F800000 : f32
    %broadcast_in_dim3A_70 = vector.broadcast %jit3A_69 : f32 to vector<512x512xf32>
    %select_n3A_71 = arith.select %eq3A_68, %broadcast_in_dim3A_70, %select_n3A_64 : vector<512x512xi1>, vector<512x512xf32>
    %argmin3A_72 = tpu.reduce_index %select_n3A_71 {axis = 1 : i32, kind = #tpu.reduction_kind<arg_min>} : vector<512x512xf32> -> vector<512xi32>
    %broadcast_in_dim3A_73 = vector.shape_cast %argmin3A_72 : vector<512xi32> to vector<512x1xi32>
    %eq3A_74 = vector.broadcast %broadcast_in_dim3A_73 : vector<512x1xi32> to vector<512x512xi32>
    %eq3A_75 = arith.cmpi eq, %iota3A, %eq3A_74 : vector<512x512xi32>
    %jit3A_76 = arith.constant 0x7F800000 : f32
    %broadcast_in_dim3A_77 = vector.broadcast %jit3A_76 : f32 to vector<512x512xf32>
    %select_n3A_78 = arith.select %eq3A_75, %broadcast_in_dim3A_77, %select_n3A_71 : vector<512x512xi1>, vector<512x512xf32>
    %argmin3A_79 = tpu.reduce_index %select_n3A_78 {axis = 1 : i32, kind = #tpu.reduction_kind<arg_min>} : vector<512x512xf32> -> vector<512xi32>
    %broadcast_in_dim3A_80 = vector.shape_cast %argmin3A_79 : vector<512xi32> to vector<512x1xi32>
    %eq3A_81 = vector.broadcast %broadcast_in_dim3A_80 : vector<512x1xi32> to vector<512x512xi32>
    %eq3A_82 = arith.cmpi eq, %iota3A, %eq3A_81 : vector<512x512xi32>
    %jit3A_83 = arith.constant 0x7F800000 : f32
    %broadcast_in_dim3A_84 = vector.broadcast %jit3A_83 : f32 to vector<512x512xf32>
    %select_n3A_85 = arith.select %eq3A_82, %broadcast_in_dim3A_84, %select_n3A_78 : vector<512x512xi1>, vector<512x512xf32>
    %argmin3A_86 = tpu.reduce_index %select_n3A_85 {axis = 1 : i32, kind = #tpu.reduction_kind<arg_min>} : vector<512x512xf32> -> vector<512xi32>
    %broadcast_in_dim3A_87 = vector.shape_cast %argmin3A_86 : vector<512xi32> to vector<512x1xi32>
    %eq3A_88 = vector.broadcast %broadcast_in_dim3A_87 : vector<512x1xi32> to vector<512x512xi32>
    %eq3A_89 = arith.cmpi eq, %iota3A, %eq3A_88 : vector<512x512xi32>
    %jit3A_90 = arith.constant 0x7F800000 : f32
    %broadcast_in_dim3A_91 = vector.broadcast %jit3A_90 : f32 to vector<512x512xf32>
    %select_n3A_92 = arith.select %eq3A_89, %broadcast_in_dim3A_91, %select_n3A_85 : vector<512x512xi1>, vector<512x512xf32>
    %argmin3A_93 = tpu.reduce_index %select_n3A_92 {axis = 1 : i32, kind = #tpu.reduction_kind<arg_min>} : vector<512x512xf32> -> vector<512xi32>
    %broadcast_in_dim3A_94 = vector.shape_cast %argmin3A_93 : vector<512xi32> to vector<512x1xi32>
    %eq3A_95 = vector.broadcast %broadcast_in_dim3A_94 : vector<512x1xi32> to vector<512x512xi32>
    %eq3A_96 = arith.cmpi eq, %iota3A, %eq3A_95 : vector<512x512xi32>
    %jit3A_97 = arith.constant 0x7F800000 : f32
    %broadcast_in_dim3A_98 = vector.broadcast %jit3A_97 : f32 to vector<512x512xf32>
    %select_n3A_99 = arith.select %eq3A_96, %broadcast_in_dim3A_98, %select_n3A_92 : vector<512x512xi1>, vector<512x512xf32>
    %argmin3A_100 = tpu.reduce_index %select_n3A_99 {axis = 1 : i32, kind = #tpu.reduction_kind<arg_min>} : vector<512x512xf32> -> vector<512xi32>
    %broadcast_in_dim3A_101 = vector.shape_cast %argmin3A_100 : vector<512xi32> to vector<512x1xi32>
    %eq3A_102 = vector.broadcast %broadcast_in_dim3A_101 : vector<512x1xi32> to vector<512x512xi32>
    %eq3A_103 = arith.cmpi eq, %iota3A, %eq3A_102 : vector<512x512xi32>
    %jit3A_104 = arith.constant 0x7F800000 : f32
    %broadcast_in_dim3A_105 = vector.broadcast %jit3A_104 : f32 to vector<512x512xf32>
    %select_n3A_106 = arith.select %eq3A_103, %broadcast_in_dim3A_105, %select_n3A_99 : vector<512x512xi1>, vector<512x512xf32>
    %argmin3A_107 = tpu.reduce_index %select_n3A_106 {axis = 1 : i32, kind = #tpu.reduction_kind<arg_min>} : vector<512x512xf32> -> vector<512xi32>
    %broadcast_in_dim3A_108 = vector.shape_cast %argmin3A_107 : vector<512xi32> to vector<512x1xi32>
    %eq3A_109 = vector.broadcast %broadcast_in_dim3A_108 : vector<512x1xi32> to vector<512x512xi32>
    %eq3A_110 = arith.cmpi eq, %iota3A, %eq3A_109 : vector<512x512xi32>
    %jit3A_111 = arith.constant 0x7F800000 : f32
    %broadcast_in_dim3A_112 = vector.broadcast %jit3A_111 : f32 to vector<512x512xf32>
    %select_n3A_113 = arith.select %eq3A_110, %broadcast_in_dim3A_112, %select_n3A_106 : vector<512x512xi1>, vector<512x512xf32>
    %argmin3A_114 = tpu.reduce_index %select_n3A_113 {axis = 1 : i32, kind = #tpu.reduction_kind<arg_min>} : vector<512x512xf32> -> vector<512xi32>
    %broadcast_in_dim3A_115 = vector.shape_cast %argmin3A_114 : vector<512xi32> to vector<512x1xi32>
    %eq3A_116 = vector.broadcast %broadcast_in_dim3A_115 : vector<512x1xi32> to vector<512x512xi32>
    %eq3A_117 = arith.cmpi eq, %iota3A, %eq3A_116 : vector<512x512xi32>
    %jit3A_118 = arith.constant 0x7F800000 : f32
    %broadcast_in_dim3A_119 = vector.broadcast %jit3A_118 : f32 to vector<512x512xf32>
    %select_n3A_120 = arith.select %eq3A_117, %broadcast_in_dim3A_119, %select_n3A_113 : vector<512x512xi1>, vector<512x512xf32>
    %argmin3A_121 = tpu.reduce_index %select_n3A_120 {axis = 1 : i32, kind = #tpu.reduction_kind<arg_min>} : vector<512x512xf32> -> vector<512xi32>
    %broadcast_in_dim3A_122 = vector.shape_cast %argmin3A_121 : vector<512xi32> to vector<512x1xi32>
    %eq3A_123 = vector.broadcast %broadcast_in_dim3A_122 : vector<512x1xi32> to vector<512x512xi32>
    %eq3A_124 = arith.cmpi eq, %iota3A, %eq3A_123 : vector<512x512xi32>
    %jit3A_125 = arith.constant 0x7F800000 : f32
    %broadcast_in_dim3A_126 = vector.broadcast %jit3A_125 : f32 to vector<512x512xf32>
    %select_n3A_127 = arith.select %eq3A_124, %broadcast_in_dim3A_126, %select_n3A_120 : vector<512x512xi1>, vector<512x512xf32>
    %argmin3A_128 = tpu.reduce_index %select_n3A_127 {axis = 1 : i32, kind = #tpu.reduction_kind<arg_min>} : vector<512x512xf32> -> vector<512xi32>
    %broadcast_in_dim3A_129 = vector.shape_cast %argmin3A_128 : vector<512xi32> to vector<512x1xi32>
    %eq3A_130 = vector.broadcast %broadcast_in_dim3A_129 : vector<512x1xi32> to vector<512x512xi32>
    %eq3A_131 = arith.cmpi eq, %iota3A, %eq3A_130 : vector<512x512xi32>
    %jit3A_132 = arith.constant 0x7F800000 : f32
    %broadcast_in_dim3A_133 = vector.broadcast %jit3A_132 : f32 to vector<512x512xf32>
    %select_n3A_134 = arith.select %eq3A_131, %broadcast_in_dim3A_133, %select_n3A_127 : vector<512x512xi1>, vector<512x512xf32>
    %argmin3A_135 = tpu.reduce_index %select_n3A_134 {axis = 1 : i32, kind = #tpu.reduction_kind<arg_min>} : vector<512x512xf32> -> vector<512xi32>
    %broadcast_in_dim3A_136 = vector.shape_cast %argmin3A_135 : vector<512xi32> to vector<512x1xi32>
    %eq3A_137 = vector.broadcast %broadcast_in_dim3A_136 : vector<512x1xi32> to vector<512x512xi32>
    %eq3A_138 = arith.cmpi eq, %iota3A, %eq3A_137 : vector<512x512xi32>
    %jit3A_139 = arith.constant 0x7F800000 : f32
    %broadcast_in_dim3A_140 = vector.broadcast %jit3A_139 : f32 to vector<512x512xf32>
    %select_n3A_141 = arith.select %eq3A_138, %broadcast_in_dim3A_140, %select_n3A_134 : vector<512x512xi1>, vector<512x512xf32>
    %argmin3A_142 = tpu.reduce_index %select_n3A_141 {axis = 1 : i32, kind = #tpu.reduction_kind<arg_min>} : vector<512x512xf32> -> vector<512xi32>
    %broadcast_in_dim3A_143 = vector.shape_cast %argmin3A_142 : vector<512xi32> to vector<512x1xi32>
    %eq3A_144 = vector.broadcast %broadcast_in_dim3A_143 : vector<512x1xi32> to vector<512x512xi32>
    %eq3A_145 = arith.cmpi eq, %iota3A, %eq3A_144 : vector<512x512xi32>
    %jit3A_146 = arith.constant 0x7F800000 : f32
    %broadcast_in_dim3A_147 = vector.broadcast %jit3A_146 : f32 to vector<512x512xf32>
    %select_n3A_148 = arith.select %eq3A_145, %broadcast_in_dim3A_147, %select_n3A_141 : vector<512x512xi1>, vector<512x512xf32>
    %argmin3A_149 = tpu.reduce_index %select_n3A_148 {axis = 1 : i32, kind = #tpu.reduction_kind<arg_min>} : vector<512x512xf32> -> vector<512xi32>
    %broadcast_in_dim3A_150 = vector.shape_cast %argmin3A_149 : vector<512xi32> to vector<512x1xi32>
    %concatenate3A = tpu.concatenate %broadcast_in_dim3A, %broadcast_in_dim3A_24, %broadcast_in_dim3A_31, %broadcast_in_dim3A_38, %broadcast_in_dim3A_45, %broadcast_in_dim3A_52, %broadcast_in_dim3A_59, %broadcast_in_dim3A_66, %broadcast_in_dim3A_73, %broadcast_in_dim3A_80, %broadcast_in_dim3A_87, %broadcast_in_dim3A_94, %broadcast_in_dim3A_101, %broadcast_in_dim3A_108, %broadcast_in_dim3A_115, %broadcast_in_dim3A_122, %broadcast_in_dim3A_129, %broadcast_in_dim3A_136, %broadcast_in_dim3A_143, %broadcast_in_dim3A_150 in 1 : vector<512x1xi32>, vector<512x1xi32>, vector<512x1xi32>, vector<512x1xi32>, vector<512x1xi32>, vector<512x1xi32>, vector<512x1xi32>, vector<512x1xi32>, vector<512x1xi32>, vector<512x1xi32>, vector<512x1xi32>, vector<512x1xi32>, vector<512x1xi32>, vector<512x1xi32>, vector<512x1xi32>, vector<512x1xi32>, vector<512x1xi32>, vector<512x1xi32>, vector<512x1xi32>, vector<512x1xi32> -> vector<512x20xi32>
    %mul3A_151 = arith.constant 512 : i32
    %mul3A_152 = arith.muli %add3A_0, %mul3A_151 : i32
    %add3A_153 = vector.broadcast %mul3A_152 : i32 to vector<512x20xi32>
    %add3A_154 = arith.addi %concatenate3A, %add3A_153 : vector<512x20xi32>
    %swap3A = arith.constant 0 : index
    %swap3A_155 = arith.constant 0 : index
    %swap3A_156 = arith.constant 0 : index
    %swap3A_157 = vector.load %arg4[%swap3A, %swap3A_155, %swap3A_156] : memref<1x512x20xi32, #tpu.memory_space<vmem>>, vector<1x512x20xi32>
    %swap3A_158 = vector.shape_cast %swap3A_157 : vector<1x512x20xi32> to vector<512x20xi32>
    %swap3A_159 = vector.shape_cast %add3A_154 : vector<512x20xi32> to vector<1x512x20xi32>
    tpu.vector_store %arg4[%swap3A, %swap3A_155, %swap3A_156], %swap3A_159 {strides = array<i32>} : memref<1x512x20xi32, #tpu.memory_space<vmem>>, vector<1x512x20xi32>,
    return
  }
  func.func @transform_0(%arg0: i32) -> (i32, i32, i32) {
    %c0_i32 = arith.constant 0 : i32
    %c0_i32_0 = arith.constant 0 : i32
    %c0_i32_1 = arith.constant 0 : i32
    return %arg0, %c0_i32, %c0_i32_0 : i32, i32, i32
  }
  func.func @transform_1(%arg0: i32) -> (i32, i32, i32) {
    %c0_i32 = arith.constant 0 : i32
    %c0_i32_0 = arith.constant 0 : i32
    %c0_i32_1 = arith.constant 0 : i32
    return %arg0, %c0_i32, %c0_i32_0 : i32, i32, i32
  }
  func.func @transform_2(%arg0: i32) -> (i32, i32, i32) {
    %c0_i32 = arith.constant 0 : i32
    %c0_i32_0 = arith.constant 0 : i32
    %c0_i32_1 = arith.constant 0 : i32
    return %arg0, %c0_i32, %c0_i32_0 : i32, i32, i32
  }
  func.func @transform_3(%arg0: i32) -> (i32, i32, i32) {
    %c0_i32 = arith.constant 0 : i32
    %c0_i32_0 = arith.constant 0 : i32
    %c0_i32_1 = arith.constant 0 : i32
    return %arg0, %c0_i32, %c0_i32_0 : i32, i32, i32
  }
}

module attributes {stable_mosaic.version = 14 : i64} {
  func.func @_edge_mlp_body(%arg0: i32, %arg1: i32, %arg2: memref<1x512x74xf32, #tpu.memory_space<vmem>>, %arg3: memref<1x10240x128xf32, #tpu.memory_space<vmem>>, %arg4: memref<148x128xf32, #tpu.memory_space<vmem>>, %arg5: memref<1x128xf32, #tpu.memory_space<vmem>>, %arg6: memref<128x64xf32, #tpu.memory_space<vmem>>, %arg7: memref<1x64xf32, #tpu.memory_space<vmem>>, %arg8: memref<1x512x64xf32, #tpu.memory_space<vmem>>) attributes {dimension_semantics = [#tpu.dimension_semantics<arbitrary>, #tpu.dimension_semantics<arbitrary>], iteration_bounds = array<i64: 32, 1>, scalar_prefetch = 0 : i64, scratch_operands = 0 : i64, tpu.core_type = #tpu.core_type<tc>, window_params = [{transform_indices = @transform_0, window_bounds = array<i64: 1, 512, 74>}, {transform_indices = @transform_1, window_bounds = array<i64: 1, 10240, 128>}, {pipeline_mode = #tpu.pipeline_mode<synchronous>, transform_indices = @transform_2, window_bounds = array<i64: 148, 128>}, {pipeline_mode = #tpu.pipeline_mode<synchronous>, transform_indices = @transform_3, window_bounds = array<i64: 1, 128>}, {pipeline_mode = #tpu.pipeline_mode<synchronous>, transform_indices = @transform_4, window_bounds = array<i64: 128, 64>}, {pipeline_mode = #tpu.pipeline_mode<synchronous>, transform_indices = @transform_5, window_bounds = array<i64: 1, 64>}, {transform_indices = @transform_6, window_bounds = array<i64: 1, 512, 64>}]} {
    %get3A = arith.constant 0 : index
    %get3A_0 = arith.constant 0 : index
    %get3A_1 = arith.constant 0 : index
    %get3A_2 = vector.load %arg2[%get3A, %get3A_0, %get3A_1] : memref<1x512x74xf32, #tpu.memory_space<vmem>>, vector<1x512x74xf32>
    %get3A_3 = vector.shape_cast %get3A_2 : vector<1x512x74xf32> to vector<512x74xf32>
    %get3A_4 = arith.constant 0 : index
    %get3A_5 = arith.constant 0 : index
    %get3A_6 = arith.constant 0 : index
    %get3A_7 = vector.load %arg3[%get3A_4, %get3A_5, %get3A_6] : memref<1x10240x128xf32, #tpu.memory_space<vmem>>, vector<1x10240x128xf32>
    %get3A_8 = vector.shape_cast %get3A_7 : vector<1x10240x128xf32> to vector<10240x128xf32>
    %slice3A = vector.extract_strided_slice %get3A_8 {offsets = [0, 0], sizes = [10240, 74], strides = [1, 1]} : vector<10240x128xf32> to vector<10240x74xf32>
    %broadcast_in_dim3A = vector.shape_cast %get3A_3 : vector<512x74xf32> to vector<512x1x74xf32>
    %broadcast_in_dim3A_9 = vector.shape_cast %broadcast_in_dim3A : vector<512x1x74xf32> to vector<512x1x74xf32>
    %broadcast_in_dim3A_10 = vector.broadcast %broadcast_in_dim3A_9 : vector<512x1x74xf32> to vector<512x20x74xf32>
    %reshape3A = vector.shape_cast %broadcast_in_dim3A_10 : vector<512x20x74xf32> to vector<10240x74xf32>
    %sub3A = arith.subf %slice3A, %reshape3A : vector<10240x74xf32>
    %concatenate3A = tpu.concatenate %reshape3A, %sub3A in 1 : vector<10240x74xf32>, vector<10240x74xf32> -> vector<10240x148xf32>
    %get3A_11 = arith.constant 0 : index
    %get3A_12 = arith.constant 0 : index
    %get3A_13 = vector.load %arg4[%get3A_11, %get3A_12] : memref<148x128xf32, #tpu.memory_space<vmem>>, vector<148x128xf32>
    %dot_general3A = arith.constant dense<0.000000e+00> : vector<10240x128xf32>
    %dot_general3A_14 = tpu.matmul %concatenate3A, %get3A_13, %dot_general3A {dimension_numbers = #tpu.dot_dimension_numbers<[1], [0], [0], [1], [0, 0, 1, 1], [], []>, transpose_lhs_hint = false} : vector<10240x148xf32>, vector<148x128xf32>, vector<10240x128xf32> -> vector<10240x128xf32>
    %get3A_15 = arith.constant 0 : index
    %get3A_16 = arith.constant 0 : index
    %get3A_17 = vector.load %arg5[%get3A_15, %get3A_16] : memref<1x128xf32, #tpu.memory_space<vmem>>, vector<1x128xf32>
    %add3A = vector.broadcast %get3A_17 : vector<1x128xf32> to vector<10240x128xf32>
    %add3A_18 = arith.addf %dot_general3A_14, %add3A : vector<10240x128xf32>
    %gt3A = arith.constant 0.000000e+00 : f32
    %gt3A_19 = vector.broadcast %gt3A : f32 to vector<10240x128xf32>
    %gt3A_20 = arith.cmpf ogt, %add3A_18, %gt3A_19 : vector<10240x128xf32>
    %min3A = arith.constant 0.000000e+00 : f32
    %min3A_21 = vector.broadcast %min3A : f32 to vector<10240x128xf32>
    %min3A_22 = arith.minimumf %add3A_18, %min3A_21 : vector<10240x128xf32>
    %exp3A = math.exp %min3A_22 : vector<10240x128xf32>
    %sub3A_23 = arith.constant 1.000000e+00 : f32
    %sub3A_24 = vector.broadcast %sub3A_23 : f32 to vector<10240x128xf32>
    %sub3A_25 = arith.subf %exp3A, %sub3A_24 : vector<10240x128xf32>
    %select_n3A = arith.select %gt3A_20, %add3A_18, %sub3A_25 : vector<10240x128xi1>, vector<10240x128xf32>
    %get3A_26 = arith.constant 0 : index
    %get3A_27 = arith.constant 0 : index
    %get3A_28 = vector.load %arg6[%get3A_26, %get3A_27] : memref<128x64xf32, #tpu.memory_space<vmem>>, vector<128x64xf32>
    %dot_general3A_29 = arith.constant dense<0.000000e+00> : vector<10240x64xf32>
    %dot_general3A_30 = tpu.matmul %select_n3A, %get3A_28, %dot_general3A_29 {dimension_numbers = #tpu.dot_dimension_numbers<[1], [0], [0], [1], [0, 0, 1, 1], [], []>, transpose_lhs_hint = false} : vector<10240x128xf32>, vector<128x64xf32>, vector<10240x64xf32> -> vector<10240x64xf32>
    %get3A_31 = arith.constant 0 : index
    %get3A_32 = arith.constant 0 : index
    %get3A_33 = vector.load %arg7[%get3A_31, %get3A_32] : memref<1x64xf32, #tpu.memory_space<vmem>>, vector<1x64xf32>
    %add3A_34 = vector.broadcast %get3A_33 : vector<1x64xf32> to vector<10240x64xf32>
    %add3A_35 = arith.addf %dot_general3A_30, %add3A_34 : vector<10240x64xf32>
    %reshape3A_36 = vector.shape_cast %add3A_35 : vector<10240x64xf32> to vector<512x20x64xf32>
    %reduce_max3A = arith.constant dense<0xFF800000> : vector<512x64xf32>
    %reduce_max3A_37 = vector.multi_reduction <maximumf>, %reshape3A_36, %reduce_max3A [1] : vector<512x20x64xf32> to vector<512x64xf32>
    %gt3A_38 = arith.constant 0.000000e+00 : f32
    %gt3A_39 = vector.broadcast %gt3A_38 : f32 to vector<512x64xf32>
    %gt3A_40 = arith.cmpf ogt, %reduce_max3A_37, %gt3A_39 : vector<512x64xf32>
    %min3A_41 = arith.constant 0.000000e+00 : f32
    %min3A_42 = vector.broadcast %min3A_41 : f32 to vector<512x64xf32>
    %min3A_43 = arith.minimumf %reduce_max3A_37, %min3A_42 : vector<512x64xf32>
    %exp3A_44 = math.exp %min3A_43 : vector<512x64xf32>
    %sub3A_45 = arith.constant 1.000000e+00 : f32
    %sub3A_46 = vector.broadcast %sub3A_45 : f32 to vector<512x64xf32>
    %sub3A_47 = arith.subf %exp3A_44, %sub3A_46 : vector<512x64xf32>
    %select_n3A_48 = arith.select %gt3A_40, %reduce_max3A_37, %sub3A_47 : vector<512x64xi1>, vector<512x64xf32>
    %swap3A = arith.constant 0 : index
    %swap3A_49 = arith.constant 0 : index
    %swap3A_50 = arith.constant 0 : index
    %swap3A_51 = vector.load %arg8[%swap3A, %swap3A_49, %swap3A_50] : memref<1x512x64xf32, #tpu.memory_space<vmem>>, vector<1x512x64xf32>
    %swap3A_52 = vector.shape_cast %swap3A_51 : vector<1x512x64xf32> to vector<512x64xf32>
    %swap3A_53 = vector.shape_cast %select_n3A_48 : vector<512x64xf32> to vector<1x512x64xf32>
    tpu.vector_store %arg8[%swap3A, %swap3A_49, %swap3A_50], %swap3A_53 {strides = array<i32>} : memref<1x512x64xf32, #tpu.memory_space<vmem>>, vector<1x512x64xf32>,
    return
  }
  func.func @transform_0(%arg0: i32, %arg1: i32) -> (i32, i32, i32) {
    %c0_i32 = arith.constant 0 : i32
    %c0_i32_0 = arith.constant 0 : i32
    return %arg0, %arg1, %c0_i32 : i32, i32, i32
  }
  func.func @transform_1(%arg0: i32, %arg1: i32) -> (i32, i32, i32) {
    %c0_i32 = arith.constant 0 : i32
    %c0_i32_0 = arith.constant 0 : i32
    return %arg0, %arg1, %c0_i32 : i32, i32, i32
  }
  func.func @transform_2(%arg0: i32, %arg1: i32) -> (i32, i32) {
    %c0_i32 = arith.constant 0 : i32
    %c0_i32_0 = arith.constant 0 : i32
    %c0_i32_1 = arith.constant 0 : i32
    return %c0_i32, %c0_i32_0 : i32, i32
  }
  func.func @transform_3(%arg0: i32, %arg1: i32) -> (i32, i32) {
    %c0_i32 = arith.constant 0 : i32
    %c0_i32_0 = arith.constant 0 : i32
    %c0_i32_1 = arith.constant 0 : i32
    return %c0_i32, %c0_i32_0 : i32, i32
  }
  func.func @transform_4(%arg0: i32, %arg1: i32) -> (i32, i32) {
    %c0_i32 = arith.constant 0 : i32
    %c0_i32_0 = arith.constant 0 : i32
    %c0_i32_1 = arith.constant 0 : i32
    return %c0_i32, %c0_i32_0 : i32, i32
  }
  func.func @transform_5(%arg0: i32, %arg1: i32) -> (i32, i32) {
    %c0_i32 = arith.constant 0 : i32
    %c0_i32_0 = arith.constant 0 : i32
    %c0_i32_1 = arith.constant 0 : i32
    return %c0_i32, %c0_i32_0 : i32, i32
  }
  func.func @transform_6(%arg0: i32, %arg1: i32) -> (i32, i32, i32) {
    %c0_i32 = arith.constant 0 : i32
    %c0_i32_0 = arith.constant 0 : i32
    return %arg0, %arg1, %c0_i32 : i32, i32, i32
  }
}

module attributes {stable_mosaic.version = 14 : i64} {
  func.func @_ffn_body(%arg0: memref<32x512x64xf32, #tpu.memory_space<vmem>>, %arg1: memref<32x10xf32, #tpu.memory_space<vmem>>, %arg2: memref<74x128xf32, #tpu.memory_space<vmem>>, %arg3: memref<1x128xf32, #tpu.memory_space<vmem>>, %arg4: memref<128x128xf32, #tpu.memory_space<vmem>>, %arg5: memref<1x128xf32, #tpu.memory_space<vmem>>, %arg6: memref<128x1xf32, #tpu.memory_space<vmem>>, %arg7: memref<1x1xf32, #tpu.memory_space<vmem>>, %arg8: memref<32x1xf32, #tpu.memory_space<vmem>>) attributes {dimension_semantics = [], scalar_prefetch = 0 : i64, scratch_operands = 0 : i64, tpu.core_type = #tpu.core_type<tc>} {
    %get3A = arith.constant 0 : index
    %get3A_0 = arith.constant 0 : index
    %get3A_1 = arith.constant 0 : index
    %get3A_2 = vector.load %arg0[%get3A, %get3A_0, %get3A_1] : memref<32x512x64xf32, #tpu.memory_space<vmem>>, vector<32x512x64xf32>
    %reduce_sum3A = arith.constant dense<0.000000e+00> : vector<32x64xf32>
    %reduce_sum3A_3 = vector.multi_reduction <add>, %get3A_2, %reduce_sum3A [1] : vector<32x512x64xf32> to vector<32x64xf32>
    %div3A = arith.constant 5.120000e+02 : f32
    %div3A_4 = vector.broadcast %div3A : f32 to vector<32x64xf32>
    %div3A_5 = arith.divf %reduce_sum3A_3, %div3A_4 : vector<32x64xf32>
    %get3A_6 = arith.constant 0 : index
    %get3A_7 = arith.constant 0 : index
    %get3A_8 = vector.load %arg1[%get3A_6, %get3A_7] : memref<32x10xf32, #tpu.memory_space<vmem>>, vector<32x10xf32>
    %concatenate3A = tpu.concatenate %div3A_5, %get3A_8 in 1 : vector<32x64xf32>, vector<32x10xf32> -> vector<32x74xf32>
    %get3A_9 = arith.constant 0 : index
    %get3A_10 = arith.constant 0 : index
    %get3A_11 = vector.load %arg2[%get3A_9, %get3A_10] : memref<74x128xf32, #tpu.memory_space<vmem>>, vector<74x128xf32>
    %dot_general3A = arith.constant dense<0.000000e+00> : vector<32x128xf32>
    %dot_general3A_12 = tpu.matmul %concatenate3A, %get3A_11, %dot_general3A {dimension_numbers = #tpu.dot_dimension_numbers<[1], [0], [0], [1], [0, 0, 1, 1], [], []>, transpose_lhs_hint = false} : vector<32x74xf32>, vector<74x128xf32>, vector<32x128xf32> -> vector<32x128xf32>
    %get3A_13 = arith.constant 0 : index
    %get3A_14 = arith.constant 0 : index
    %get3A_15 = vector.load %arg3[%get3A_13, %get3A_14] : memref<1x128xf32, #tpu.memory_space<vmem>>, vector<1x128xf32>
    %add3A = vector.broadcast %get3A_15 : vector<1x128xf32> to vector<32x128xf32>
    %add3A_16 = arith.addf %dot_general3A_12, %add3A : vector<32x128xf32>
    %gt3A = arith.constant 0.000000e+00 : f32
    %gt3A_17 = vector.broadcast %gt3A : f32 to vector<32x128xf32>
    %gt3A_18 = arith.cmpf ogt, %add3A_16, %gt3A_17 : vector<32x128xf32>
    %min3A = arith.constant 0.000000e+00 : f32
    %min3A_19 = vector.broadcast %min3A : f32 to vector<32x128xf32>
    %min3A_20 = arith.minimumf %add3A_16, %min3A_19 : vector<32x128xf32>
    %exp3A = math.exp %min3A_20 : vector<32x128xf32>
    %sub3A = arith.constant 1.000000e+00 : f32
    %sub3A_21 = vector.broadcast %sub3A : f32 to vector<32x128xf32>
    %sub3A_22 = arith.subf %exp3A, %sub3A_21 : vector<32x128xf32>
    %select_n3A = arith.select %gt3A_18, %add3A_16, %sub3A_22 : vector<32x128xi1>, vector<32x128xf32>
    %get3A_23 = arith.constant 0 : index
    %get3A_24 = arith.constant 0 : index
    %get3A_25 = vector.load %arg4[%get3A_23, %get3A_24] : memref<128x128xf32, #tpu.memory_space<vmem>>, vector<128x128xf32>
    %dot_general3A_26 = arith.constant dense<0.000000e+00> : vector<32x128xf32>
    %dot_general3A_27 = tpu.matmul %select_n3A, %get3A_25, %dot_general3A_26 {dimension_numbers = #tpu.dot_dimension_numbers<[1], [0], [0], [1], [0, 0, 1, 1], [], []>, transpose_lhs_hint = false} : vector<32x128xf32>, vector<128x128xf32>, vector<32x128xf32> -> vector<32x128xf32>
    %get3A_28 = arith.constant 0 : index
    %get3A_29 = arith.constant 0 : index
    %get3A_30 = vector.load %arg5[%get3A_28, %get3A_29] : memref<1x128xf32, #tpu.memory_space<vmem>>, vector<1x128xf32>
    %add3A_31 = vector.broadcast %get3A_30 : vector<1x128xf32> to vector<32x128xf32>
    %add3A_32 = arith.addf %dot_general3A_27, %add3A_31 : vector<32x128xf32>
    %gt3A_33 = arith.constant 0.000000e+00 : f32
    %gt3A_34 = vector.broadcast %gt3A_33 : f32 to vector<32x128xf32>
    %gt3A_35 = arith.cmpf ogt, %add3A_32, %gt3A_34 : vector<32x128xf32>
    %min3A_36 = arith.constant 0.000000e+00 : f32
    %min3A_37 = vector.broadcast %min3A_36 : f32 to vector<32x128xf32>
    %min3A_38 = arith.minimumf %add3A_32, %min3A_37 : vector<32x128xf32>
    %exp3A_39 = math.exp %min3A_38 : vector<32x128xf32>
    %sub3A_40 = arith.constant 1.000000e+00 : f32
    %sub3A_41 = vector.broadcast %sub3A_40 : f32 to vector<32x128xf32>
    %sub3A_42 = arith.subf %exp3A_39, %sub3A_41 : vector<32x128xf32>
    %select_n3A_43 = arith.select %gt3A_35, %add3A_32, %sub3A_42 : vector<32x128xi1>, vector<32x128xf32>
    %get3A_44 = arith.constant 0 : index
    %get3A_45 = arith.constant 0 : index
    %get3A_46 = vector.load %arg6[%get3A_44, %get3A_45] : memref<128x1xf32, #tpu.memory_space<vmem>>, vector<128x1xf32>
    %dot_general3A_47 = arith.constant dense<0.000000e+00> : vector<32x1xf32>
    %dot_general3A_48 = tpu.matmul %select_n3A_43, %get3A_46, %dot_general3A_47 {dimension_numbers = #tpu.dot_dimension_numbers<[1], [0], [0], [1], [0, 0, 1, 1], [], []>, transpose_lhs_hint = false} : vector<32x128xf32>, vector<128x1xf32>, vector<32x1xf32> -> vector<32x1xf32>
    %get3A_49 = arith.constant 0 : index
    %get3A_50 = arith.constant 0 : index
    %get3A_51 = vector.load %arg7[%get3A_49, %get3A_50] : memref<1x1xf32, #tpu.memory_space<vmem>>, vector<1x1xf32>
    %add3A_52 = vector.broadcast %get3A_51 : vector<1x1xf32> to vector<32x1xf32>
    %add3A_53 = arith.addf %dot_general3A_48, %add3A_52 : vector<32x1xf32>
    %swap3A = arith.constant 0 : index
    %swap3A_54 = arith.constant 0 : index
    %swap3A_55 = vector.load %arg8[%swap3A, %swap3A_54] : memref<32x1xf32, #tpu.memory_space<vmem>>, vector<32x1xf32>
    tpu.vector_store %arg8[%swap3A, %swap3A_54], %add3A_53 {strides = array<i32>} : memref<32x1xf32, #tpu.memory_space<vmem>>, vector<32x1xf32>,
    return
  }
}

</mosaic_0001>

<sc_bundles>
// kernel: kernel.12.cloned.1.call-start
scs
__scs_entry_jumppad:
0x0: {  	(pc) =	sbr.rel $0x88, $3  }
0x1: {  	(tag) =	ssettag $0x0;
	lr =	simm.s32 $0x1  }
0x2: {  	[smem:$0x3F8D] =	sst lr;
	_ =	strace $0xD0000000  }
0x3: {  	_ = 	snop  }
0x4: {  	_ = 	snop  }
0x5: {  	_ = 	snop  }
0x6: {  	_ = 	snop  }
0x7: {  	_ = 	snop  }
__scs_overlays_trampoline_lowered:
0x8: {  	[smem:$0x3F9C] =	sst s0  }
0x9: {  	[smem:$0x3F9D] =	sst s1  }
0xa: {  	[smem:$0x3F9E] =	sst s2  }
0xb: {  	[smem:$0x3F9F] =	sst s3  }
0xc: {  	[smem:$0x3FA0] =	sst s4  }
0xd: {  	[smem:$0x3FA1] =	sst s5  }
0xe: {  	[smem:$0x3FA2] =	sst s6  }
0xf: {  	[smem:$0x3FA3] =	sst s7  }
0x10: {  	[smem:$0x3FA4] =	sst s8  }
0x11: {  	[smem:$0x3FA5] =	sst s9;
	s0 =	simm.s32 @!p0 $0x0  }
0x12: {  	s1 =	sld [smem:$0x3F8B];
	s0 =	simm.s32 @p0 $0x1  }
0x13: {  	[smem:$0x3FA6] =	sst s0;
	s0 =	simm.s32 @!p1 $0x0  }
0x14: {  	s2 =	sld [smem:$0x3F8A];
	s0 =	simm.s32 @p1 $0x1  }
0x15: {  	[smem:$0x3FA7] =	sst s0;
	s0 =	simm.s32 @!p2 $0x0  }
0x16: {  	s3 =	sld [smem:$0x3FDB];
	s0 =	simm.s32 @p2 $0x1  }
0x17: {  	s4 =	simm.s32 $0x1BF5;
	[smem:$0x3FA9] =	sst s0  }
0x18: {  	s0 =	sld [smem:$0x3F8C];
	_ =	swait.ge [sflag:s4], $0x0  }
0x19: {  	s7 =	sld [smem:$0x3F8D]  }
0x1a: {  	s8 =	sadd.s32 $0xFFFFE003, lr  }
0x1b: {  	s9 =	sadd.s32 $0xFFFFFEF7, lr;
	s5 =	simm.s32 $0xFFFFFFFF;
	p2 =	slt.u32 s8, $0xFFFFF086  }
0x1c: {  	p1 =	slt.u32 s9, $0xF7A;
	s5 =	simm.s32 @!p2 $0x0  }
0x1d: {  	s5 =	simm.s32 @p1 $0x1;
	p0 =	seq.s32 s7, s2  }
0x1e: {  	s7 =	smul.u32 @!p0 $0xF7A, s2;
	p2 =	seq.s32 @!p0 s5, $0x0  }
0x1f: {  	s9 =	smul.u32 $0xF7A, s1;
	s8 =	simm.s32 @!p0 $0x1BF5;
	p2 =	por !p2, p0  }
0x20: {  	[sflag:s8] =	ssyncset.s32 @!p0 $0xFFFFF086;
	s6 =	sadd.s32 @!p0 s3, s7;
	s7 =	simm.s32 @!p0 $0x108  }
0x21: {  	s3 =	sadd.s32 s3, s9;
	s6 =	sadd.s32 @!p0 $0x88, s6;
	s7 =	simm.s32 @p2 $0x1082  }
0x22: {  	[simem:s7], [sflag:s8] =	dma.local @!p0 [hbm:s6], $0xF7A  }
0x23: {  	s9 =	sor.u32 $0xD0000000, s2;
	s6 =	simm.s32 $0x108;
	_ =	swait.ge @!p0 [sflag:s8], $0x0  }
0x24: {  	s3 =	sadd.s32 $0x88, s3;
	s6 =	simm.s32 @!p1 $0x1082;
	[sflag:s4] =	ssyncset.s32 $0xFFFFF086  }
0x25: {  	[simem:s6], [sflag:s4] =	dma.local [hbm:s3], $0xF7A  }
0x26: {  	[smem:$0x3F8D] =	sst s1;
	(tag) =	ssettag s2;
	_ =	strace s9  }
0x27: {  	s1 =	sld [smem:$0x3F9D]  }
0x28: {  	s2 =	sld [smem:$0x3F9E]  }
0x29: {  	s4 =	sld [smem:$0x3FA0]  }
0x2a: {  	p0 =	seq.s32 s5, $0x0;
	s5 =	sld [smem:$0x3FA1]  }
0x2b: {  	s6 =	sld [smem:$0x3FA2]  }
0x2c: {  	s7 =	sld [smem:$0x3FA3]  }
0x2d: {  	s3 =	simm.s32 $0x108;
	s8 =	sld [smem:$0x3FA4]  }
0x2e: {  	s3 =	simm.s32 @!p0 $0x1082;
	s9 =	sld [smem:$0x3FA5]  }
0x2f: {  	lr =	sadd.s32 s0, s3;
	s0 =	sld [smem:$0x3F9C]  }
0x30: {  	s3 =	sld [smem:$0x3F9F]  }
0x31: {  	[smem:$0x3FA8] =	sst s10  }
0x32: {  	s10 =	sld [smem:$0x3FA6];
	_ =	sdelay $0x3  }
0x33: {  	p0 =	seq.s32 s10, $0x1;
	s10 =	sld [smem:$0x3FA8];
	_ =	sdelay $0x3  }
0x34: {  	[smem:$0x3FA8] =	sst s10  }
0x35: {  	s10 =	sld [smem:$0x3FA7];
	_ =	sdelay $0x3  }
0x36: {  	p1 =	seq.s32 s10, $0x1;
	s10 =	sld [smem:$0x3FA8];
	_ =	sdelay $0x3  }
0x37: {  	[smem:$0x3FA8] =	sst s10  }
0x38: {  	s10 =	sld [smem:$0x3FA9]  }
0x39: {  	_ = 	snop;
	(pc) =	sbr.ind lr, $3  }
0x3a: {  	_ = 	snop  }
0x3b: {  	_ = 	snop  }
0x3c: {  	p2 =	seq.s32 s10, $0x1;
	s10 =	sld [smem:$0x3FA8]  }
0x3d: {  	_ =	shalt  }
0x3e: {  	_ =	shalt  }
0x3f: {  	_ =	shalt  }
0x40: {  	_ =	shalt  }
0x41: {  	_ =	shalt  }
0x42: {  	_ =	shalt  }
0x43: {  	_ =	shalt  }
0x44: {  	_ =	shalt  }
0x45: {  	_ =	shalt  }
0x46: {  	_ =	shalt  }
0x47: {  	_ =	shalt  }
0x48: {  	_ =	shalt  }
0x49: {  	_ =	shalt  }
0x4a: {  	_ =	shalt  }
0x4b: {  	_ =	shalt  }
0x4c: {  	_ =	shalt  }
0x4d: {  	_ =	shalt  }
0x4e: {  	_ =	shalt  }
0x4f: {  	_ =	shalt  }
0x50: {  	_ =	shalt  }
0x51: {  	_ =	shalt  }
0x52: {  	_ =	shalt  }
0x53: {  	_ =	shalt  }
0x54: {  	_ =	shalt  }
0x55: {  	_ =	shalt  }
0x56: {  	_ =	shalt  }
0x57: {  	_ =	shalt  }
0x58: {  	_ =	shalt  }
0x59: {  	_ =	shalt  }
0x5a: {  	_ =	shalt  }
0x5b: {  	_ =	shalt  }
0x5c: {  	_ =	shalt  }
0x5d: {  	_ =	shalt  }
0x5e: {  	_ =	shalt  }
0x5f: {  	_ =	shalt  }
0x60: {  	_ =	shalt  }
0x61: {  	_ =	shalt  }
0x62: {  	_ =	shalt  }
0x63: {  	_ =	shalt  }
0x64: {  	_ =	shalt  }
0x65: {  	_ =	shalt  }
0x66: {  	_ =	shalt  }
0x67: {  	_ =	shalt  }
0x68: {  	_ =	shalt  }
0x69: {  	_ =	shalt  }
0x6a: {  	_ =	shalt  }
0x6b: {  	_ =	shalt  }
0x6c: {  	_ =	shalt  }
0x6d: {  	_ =	shalt  }
0x6e: {  	_ =	shalt  }
0x6f: {  	_ =	shalt  }
0x70: {  	_ =	shalt  }
0x71: {  	_ =	shalt  }
0x72: {  	_ =	shalt  }
0x73: {  	_ =	shalt  }
0x74: {  	_ =	shalt  }
0x75: {  	_ =	shalt  }
0x76: {  	_ =	shalt  }
0x77: {  	_ =	shalt  }
0x78: {  	_ =	shalt  }
0x79: {  	_ =	shalt  }
0x7a: {  	_ =	shalt  }
0x7b: {  	_ =	shalt  }
0x7c: {  	_ =	shalt  }
0x7d: {  	_ =	shalt  }
0x7e: {  	_ =	shalt  }
0x7f: {  	_ =	shalt  }
0x80: {  	_ =	shalt  }
0x81: {  	_ =	shalt  }
0x82: {  	_ =	shalt  }
0x83: {  	_ =	shalt  }
0x84: {  	_ =	shalt  }
0x85: {  	_ =	shalt  }
0x86: {  	_ =	shalt  }
0x87: {  	_ =	shalt  }
.Lfunc_end0:
.L_simem_size_0:
called_computation_lowered:
.L_overlay_start_0:
0x88: {  	s2 =	sld [smem:$0x3FD9]  }
0x89: {  	s3 =	sld [smem:$0x3FFE];
	_ =	sdelay $0x1  }
0x8a: {  	s1 =	srdreg.scid  }
0x8b: {  	s0 =	sand.u32 $0x1, s1  }
0x8c: {  	s16 =	sshll.u32 s0, $0xA;
	s2 =	sadd.s32 s3, s2  }
0x8d: {  	s2 =	sadd.s32 s2, s16  }
0x8e: {  	[smem:$0x3FB4] =	sst s2  }
0x8f: {  	_ = 	snop  }
0x90: {  	(tm) =	ssettm $0x1  }
0x91: {  	s17 =	sld [smem:$0x3FFB];
	_ =	sdelay $0x3  }
0x92: {  	_ =	strace s17  }
0x93: {  	s2 =	sld [smem:$0x3FFC];
	_ =	sdelay $0x3  }
0x94: {  	_ =	strace s2  }
0x95: {  	s2 =	sld [smem:$0x3FFD];
	_ =	sdelay $0x3  }
0x96: {  	_ =	strace s2  }
0x97: {  	_ =	strace $0x8FFFFFFF  }
0x98: {  	s18 =	sld [smem:$0x3FDB];
	_ =	sdelay $0x1  }
0x99: {  	s19 =	simm.s32 $_scs_section_size  }
0x9a: {  	s4 =	simm.s32 $_size__tile_overlayer_lowered;
	s5 =	simm.s32 $_tile_overlayer_lowered  }
0x9b: {  	s22 =	simm.s32 $0x1BFF;
	s21 =	sshll.u32 s5, $0x1;
	s2 =	sadd.s32 s19, s18  }
0x9c: {  	s6 =	simm.s32 $0x0;
	s20 =	sshll.u32 s4, $0x1;
	s4 =	sadd.s32 s21, s2  }
0x9d: {  	[timem:s6], [sflag:s22] =	dma.local [hbm:s4], s20  }
0x9e: {  	_ =	swait.ge [sflag:s22], s20  }
0x9f: {  	s3 =	ssub.s32 $0x0, s20;
	[sflag:s22] =	ssyncset.done $0x0  }
0xa0: {  	[sflag:s22] =	ssyncadd.s32 s3;
	_ =	sdelay $0x1  }
0xa1: {  	s23 =	simm.s32 $0x1B8B  }
0xa2: {  	_ =	swait.ge [sflag:s23], $0x1  }
0xa3: {  	[sflag:s23] =	ssyncset.done $0x0  }
0xa4: {  	s25 =	simm.s32 $0x1B8E;
	s24 =	sld [smem:$0x3FFE];
	[sflag:s23] =	ssyncadd.s32 $0xFFFFFFFF  }
0xa5: {  	s26 =	simm.s32 $execute0_lowered;
	[smem:$0x3FD2] =	sst s25  }
0xa6: {  	s4 =	sshll.u32 s26, $0x1;
	_ =	strace $0x80000046;
	[dreg:$0x1] =	wrdreg $0xFFFFFFFF  }
0xa7: {  	s28 =	simm.s32 $_size_execute0_lowered;
	s2 =	sadd.s32 s2, s4;
	[dreg:$0x0] =	wrdreg $0x0  }
0xa8: {  	s4 =	sshll.u32 s28, $0x1;
	[dreg:$0x2] =	wrdreg s2  }
0xa9: {  	[dreg:$0x3] =	wrdreg s4  }
0xaa: {  	[dreg:$0x4] =	wrdreg $0xC0  }
0xab: {  	_ =	task [dreg:s6], $0x5FFFF  }
0xac: {  	[dreg:$0x1] =	wrdreg $0xFFFFFFFF  }
0xad: {  	[dreg:$0x0] =	wrdreg $0x60  }
0xae: {  	[dreg:$0x2] =	wrdreg s24  }
0xaf: {  	[dreg:$0x3] =	wrdreg $0x9  }
0xb0: {  	_ =	task.clear_ibuf [dreg:s6], $0x4FFFF;
	_ =	strace $0x90000046  }
0xb1: {  	s29 =	simm.s32 $0x9;
	_ =	strace $0x80000048  }
0xb2: {  	_ =	swait.ge [sflag:s29], $0x1  }
0xb3: {  	[sflag:s29] =	ssyncadd.s32 $0xFFFFFFFF  }
0xb4: {  	_ =	strace $0x90000048  }
0xb5: {  	_ =	sfence  }
0xb6: {  	s30 =	sld [smem:$0x0];
	_ =	sdelay $0x2  }
0xb7: {  	s31 =	sshll.u32 s1, $0xD;
	s1 =	sshrl.u32 s1, $0x2  }
0xb8: {  	s3 =	sand.u32 $0x4000, s31;
	s1 =	sadd.s32 s1, s30  }
0xb9: {  	s0 =	sor.u32 s3, s0;
	s1 =	sshll.u32 s1, $0x11  }
0xba: {  	s0 =	sor.u32 s1, s0  }
0xbb: {  	s0 =	sadd.s32 $0x8F2B, s0  }
0xbc: {  	[sflag:s0] =	ssyncadd.remote.s32 $0x1  }
0xbd: {  	_ =	sfence.sel $0xFFFF  }
0xbe: {  	[dreg:$0x0] =	wrdreg $0xFFFFFFFF;
	(pc) =	sbr.abs _section_cstart, $3  }
0xbf: {  	[dreg:$0x1] =	wrdreg $0xFFFFFFFF  }
0xc0: {  	_ =	task.clear_ibuf [dreg:s6], $0x2FFFF;
	_ =	strace $0x9FFFFFFF  }
0xc1: {  	(tm) =	ssettm $0x7FFFFFFF  }
tec
execute0_lowered:
.L_overlay_start_1:
0x0: {  	(tag) =	ssettag $0x1  }
0x1: {  	s4 =	rddreg [dreg:$0x0]  }
0x2: {  	s0 =	rddreg [dreg:$0x1]  }
0x3: {  	s3 =	srdreg.scid;
	s1 =	stileid.u32;
	s2 =	simm.s32 $0x0  }
0x4: {  	s16 =	simm.s32 $0x8200;
	s17 =	simm.s32 $0x1;
	s18 =	simm.s32 $0x2  }
0x5: {  	s19 =	simm.s32 $0x0;
	s6 =	sand.u32 $0x1, s3;
	s10 =	smul.u32 $0x5000, s1  }
0x6: {  	s24 =	sshll.u32 s1, $0x1;
	[smem:$0x7FF] =	sst s2;
	s13 =	smul.u32 $0x280000, s1  }
0x7: {  	s3 =	sadd.s32 $0x8DC00, s4;
	s12 =	sadd.s32 $0x83C00, s4;
	s26 =	smul.u32 $0x2800, s6  }
0x8: {  	s5 =	sor.u32 s6, s24;
	s8 =	ssub.s32 $0x2, s6;
	s14 =	smul.u32 $0x140000, s6  }
0x9: {  	s11 =	sadd.s32 $0xCDC00, s4;
	s7 =	smul.u32 $0x2800, s5;
	s25 =	sshrl.u32 s8, $0x1  }
0xa: {  	_ =	strace $0x80000047;
	s9 =	smul.u32 $0x140000, s5;
	s5 =	ssub.s32 s8, s25  }
0xb: {  	s10 =	sadd.s32 s26, s10;
	s13 =	sadd.s32 s14, s13;
	s7 =	sshrl.u32 s7, $0x3  }
0xc: {  	s5 =	smax.u32 s5, $0x1;
	s28 =	sshrl.u32 s9, $0x3;
	s30 =	sor.u32 $0x200, s10  }
0xd: {  	s14 =	sshrl.u32 s13, $0x3;
	s13 =	sor.u32 $0x8000, s13;
	s15 =	sor.u32 $0x100, s10  }
0xe: {  	s4 =	sadd.s32 s12, s7;
	s29 =	sadd.s32 s11, s28;
	s9 =	sshrl.u32 s30, $0x3  }
0xf: {  	s10 =	sadd.s32 s14, s11;
	s13 =	sshrl.u32 s13, $0x3;
	s31 =	sshrl.u32 s15, $0x3  }
0x10: {  	s14 =	simm.s32 $0x100;
	s15 =	simm.s32 $0x200;
	s6 =	sadd.s32 $0x4E0, s4  }
0x11: {  	s7 =	sadd.s32 $0x26000, s29;
	s8 =	sadd.s32 $0x27000, s29;
	s9 =	sadd.s32 s9, s12  }
0x12: {  	s11 =	sadd.s32 s13, s11;
	s12 =	sadd.s32 s31, s12;
	s13 =	simm.s32 $0x3  }
.LBB2_1:
0x13: {  	[tilespmem:s2], [sflag:$0x3] =	stream.linear.gather [hbm4b:s4+s2], $0x100, $0x38;
	[tilespmem:$0x10200] =	vst v63  }
0x14: {  	_ =	swait.ge [sflag:s13], $0x100  }
0x15: {  	[sflag:s13] =	ssyncset.done $0x0  }
0x16: {  	[sflag:s13] =	ssyncadd.s32 $0xFFFFFF00  }
0x17: {  	[tilespmem:s15], [sflag:$0x1] =	stream.indirect.gather [hbm4b:s3+s14], $0x80, s2, s14, $0xb8;
	[tilespmem:$0x10200] =	vst v63  }
0x18: {  	s20 =	sadd.s32 $0x0, s12  }
0x19: {  	[tilespmem:s14], [sflag:$0x3] =	stream.linear.gather [hbm4b:s20+s2], $0x100, $0x38;
	[tilespmem:$0x10200] =	vst v63  }
0x1a: {  	_ =	swait.ge [sflag:s13], $0x100  }
0x1b: {  	[sflag:s13] =	ssyncset.done $0x0  }
0x1c: {  	[sflag:s13] =	ssyncadd.s32 $0xFFFFFF00  }
0x1d: {  	[tilespmem:s16], [sflag:$0x2] =	stream.indirect.gather [hbm4b:s3+s14], $0x80, s14, s14, $0xb8;
	[tilespmem:$0x10200] =	vst v63  }
0x1e: {  	_ =	swait.ge [sflag:s17], $0x8000  }
0x1f: {  	[sflag:s17] =	ssyncset.done $0x0  }
0x20: {  	[sflag:s17] =	ssyncadd.s32 $0xFFFF8000  }
0x21: {  	[hbm4b:s10+s2] =	stream.linear.scatter [tilespmem:s15], [sflag:$0x3], $0x8000, $0x38;
	[tilespmem:$0x10200] =	vst v63  }
0x22: {  	_ =	swait.ge [sflag:s13], $0x8000  }
0x23: {  	[sflag:s13] =	ssyncset.done $0x0  }
0x24: {  	s31 =	sadd.s32 $0x0, s9;
	[sflag:s13] =	ssyncadd.s32 $0xFFFF8000  }
0x25: {  	[tilespmem:s2], [sflag:$0x3] =	stream.linear.gather [hbm4b:s31+s2], $0x100, $0x38;
	[tilespmem:$0x10200] =	vst v63  }
0x26: {  	_ =	swait.ge [sflag:s13], $0x100  }
0x27: {  	[sflag:s13] =	ssyncset.done $0x0  }
0x28: {  	[sflag:s13] =	ssyncadd.s32 $0xFFFFFF00  }
0x29: {  	[tilespmem:s15], [sflag:$0x1] =	stream.indirect.gather [hbm4b:s3+s14], $0x80, s2, s14, $0xb8;
	[tilespmem:$0x10200] =	vst v63  }
0x2a: {  	_ =	swait.ge [sflag:s18], $0x8000  }
0x2b: {  	[sflag:s18] =	ssyncset.done $0x0  }
0x2c: {  	[sflag:s18] =	ssyncadd.s32 $0xFFFF8000  }
0x2d: {  	[hbm4b:s11+s2] =	stream.linear.scatter [tilespmem:s16], [sflag:$0x3], $0x8000, $0x38;
	[tilespmem:$0x10200] =	vst v63  }
0x2e: {  	s21 =	simm.s32 $0x40;
	s23 =	simm.s32 $0x80;
	_ =	swait.ge [sflag:s13], $0x8000  }
0x2f: {  	s22 =	sadd.s32 $0x2000, s10;
	s20 =	sadd.s32 $0x2000, s11;
	[sflag:s13] =	ssyncset.done $0x0  }
.LBB2_2:
0x30: {  	s24 =	sadd.s32 s21, s12  }
0x31: {  	[sflag:s13] =	ssyncadd.s32 $0xFFFF8000;
	s25 =	smov.u32 s23;
	s26 =	sadd.s32 $0x40, s23  }
0x32: {  	[tilespmem:s14], [sflag:$0x3] =	stream.linear.gather [hbm4b:s24+s2], $0x100, $0x38;
	[tilespmem:$0x10200] =	vst v63  }
0x33: {  	p0 =	sne.s32 s23, $0x480;
	_ =	swait.ge [sflag:s13], $0x100  }
0x34: {  	[sflag:s13] =	ssyncset.done $0x0  }
0x35: {  	[sflag:s13] =	ssyncadd.s32 $0xFFFFFF00  }
0x36: {  	[tilespmem:s16], [sflag:$0x2] =	stream.indirect.gather [hbm4b:s3+s14], $0x80, s14, s14, $0xb8;
	[tilespmem:$0x10200] =	vst v63  }
0x37: {  	_ =	swait.ge [sflag:s17], $0x8000  }
0x38: {  	[sflag:s17] =	ssyncset.done $0x0  }
0x39: {  	[sflag:s17] =	ssyncadd.s32 $0xFFFF8000  }
0x3a: {  	[hbm4b:s22+s2] =	stream.linear.scatter [tilespmem:s15], [sflag:$0x3], $0x8000, $0x38;
	[tilespmem:$0x10200] =	vst v63  }
0x3b: {  	_ =	swait.ge [sflag:s13], $0x8000  }
0x3c: {  	[sflag:s13] =	ssyncset.done $0x0  }
0x3d: {  	s23 =	sadd.s32 s21, s9;
	s21 =	smov.u32 s25;
	[sflag:s13] =	ssyncadd.s32 $0xFFFF8000  }
0x3e: {  	[tilespmem:s2], [sflag:$0x3] =	stream.linear.gather [hbm4b:s23+s2], $0x100, $0x38;
	[tilespmem:$0x10200] =	vst v63  }
0x3f: {  	_ =	swait.ge [sflag:s13], $0x100  }
0x40: {  	[sflag:s13] =	ssyncset.done $0x0  }
0x41: {  	[sflag:s13] =	ssyncadd.s32 $0xFFFFFF00  }
0x42: {  	[tilespmem:s15], [sflag:$0x1] =	stream.indirect.gather [hbm4b:s3+s14], $0x80, s2, s14, $0xb8;
	[tilespmem:$0x10200] =	vst v63  }
0x43: {  	_ =	swait.ge [sflag:s18], $0x8000  }
.Ltmp0:
0x44: {  	[sflag:s18] =	ssyncset.done $0x0;
	(pc) =	sbr.rel @p0 .LBB2_2-.Ltmp0, $4  }
0x45: {  	[sflag:s18] =	ssyncadd.s32 $0xFFFF8000  }
0x46: {  	[hbm4b:s20+s2] =	stream.linear.scatter [tilespmem:s16], [sflag:$0x3], $0x8000, $0x38;
	[tilespmem:$0x10200] =	vst v63  }
0x47: {  	s22 =	sadd.s32 $0x2000, s22;
	_ =	swait.ge [sflag:s13], $0x8000  }
0x48: {  	s23 =	smov.u32 s26;
	s20 =	sadd.s32 $0x2000, s20;
	[sflag:s13] =	ssyncset.done $0x0  }
0x49: {  	s23 =	sadd.s32 s21, s12;
	[sflag:s13] =	ssyncadd.s32 $0xFFFF8000  }
0x4a: {  	[tilespmem:s14], [sflag:$0x3] =	stream.linear.gather [hbm4b:s23+s2], $0x100, $0x38;
	[tilespmem:$0x10200] =	vst v63  }
0x4b: {  	_ =	swait.ge [sflag:s13], $0x100  }
0x4c: {  	[sflag:s13] =	ssyncset.done $0x0  }
0x4d: {  	[sflag:s13] =	ssyncadd.s32 $0xFFFFFF00  }
0x4e: {  	[tilespmem:s16], [sflag:$0x2] =	stream.indirect.gather [hbm4b:s3+s14], $0x80, s14, s14, $0xb8;
	[tilespmem:$0x10200] =	vst v63  }
0x4f: {  	_ =	swait.ge [sflag:s17], $0x8000  }
0x50: {  	[sflag:s17] =	ssyncset.done $0x0  }
0x51: {  	[sflag:s17] =	ssyncadd.s32 $0xFFFF8000  }
0x52: {  	[hbm4b:s22+s2] =	stream.linear.scatter [tilespmem:s15], [sflag:$0x3], $0x8000, $0x38;
	[tilespmem:$0x10200] =	vst v63  }
0x53: {  	_ =	swait.ge [sflag:s13], $0x8000  }
0x54: {  	[sflag:s13] =	ssyncset.done $0x0  }
0x55: {  	s31 =	sadd.s32 s21, s9;
	[sflag:s13] =	ssyncadd.s32 $0xFFFF8000  }
0x56: {  	[tilespmem:s2], [sflag:$0x3] =	stream.linear.gather [hbm4b:s31+s2], $0x100, $0x38;
	[tilespmem:$0x10200] =	vst v63  }
0x57: {  	_ =	swait.ge [sflag:s13], $0x100  }
0x58: {  	[sflag:s13] =	ssyncset.done $0x0  }
0x59: {  	[sflag:s13] =	ssyncadd.s32 $0xFFFFFF00  }
0x5a: {  	[tilespmem:s15], [sflag:$0x1] =	stream.indirect.gather [hbm4b:s3+s14], $0x80, s2, s14, $0xb8;
	[tilespmem:$0x10200] =	vst v63  }
0x5b: {  	_ =	swait.ge [sflag:s18], $0x8000  }
0x5c: {  	[sflag:s18] =	ssyncset.done $0x0  }
0x5d: {  	[sflag:s18] =	ssyncadd.s32 $0xFFFF8000  }
0x5e: {  	[hbm4b:s20+s2] =	stream.linear.scatter [tilespmem:s16], [sflag:$0x3], $0x8000, $0x38;
	[tilespmem:$0x10200] =	vst v63  }
0x5f: {  	_ =	swait.ge [sflag:s13], $0x8000  }
0x60: {  	[sflag:s13] =	ssyncset.done $0x0  }
0x61: {  	[sflag:s13] =	ssyncadd.s32 $0xFFFF8000  }
0x62: {  	[tilespmem:s14], [sflag:$0x3] =	stream.linear.gather [hbm4b:s6+s2], $0x100, $0x38;
	[tilespmem:$0x10200] =	vst v63  }
0x63: {  	_ =	swait.ge [sflag:s13], $0x100  }
0x64: {  	[sflag:s13] =	ssyncset.done $0x0  }
0x65: {  	[sflag:s13] =	ssyncadd.s32 $0xFFFFFF00  }
0x66: {  	[tilespmem:s16], [sflag:$0x2] =	stream.indirect.gather [hbm4b:s3+s14], $0x80, s14, s14, $0xb8;
	[tilespmem:$0x10200] =	vst v63  }
0x67: {  	_ =	swait.ge [sflag:s17], $0x8000  }
0x68: {  	[sflag:s17] =	ssyncset.done $0x0  }
0x69: {  	[sflag:s17] =	ssyncadd.s32 $0xFFFF8000  }
0x6a: {  	[hbm4b:s7+s2] =	stream.linear.scatter [tilespmem:s15], [sflag:$0x3], $0x8000, $0x38;
	[tilespmem:$0x10200] =	vst v63  }
0x6b: {  	_ =	swait.ge [sflag:s13], $0x8000  }
0x6c: {  	[sflag:s13] =	ssyncset.done $0x0  }
0x6d: {  	[sflag:s13] =	ssyncadd.s32 $0xFFFF8000  }
0x6e: {  	s19 =	sadd.s32 $0x1, s19;
	_ =	swait.ge [sflag:s18], $0x8000  }
0x6f: {  	p0 =	sne.s32 s19, s5;
	[sflag:s18] =	ssyncset.done $0x0  }
.Ltmp1:
0x70: {  	[sflag:s18] =	ssyncadd.s32 $0xFFFF8000;
	(pc) =	sbr.rel @p0 .LBB2_1-.Ltmp1, $4  }
0x71: {  	[hbm4b:s8+s2] =	stream.linear.scatter [tilespmem:s16], [sflag:$0x3], $0x8000, $0x38;
	[tilespmem:$0x10200] =	vst v63  }
0x72: {  	_ =	swait.ge [sflag:s13], $0x8000  }
0x73: {  	[sflag:s13] =	ssyncset.done $0x0  }
0x74: {  	[sflag:s13] =	ssyncadd.s32 $0xFFFF8000  }
0x75: {  	_ =	sfence.sel $0x180000  }
0x76: {  	[bflag:$0x0] =	sbarrier.arrive $0xFFFF  }
0x77: {  	p0 =	sne.s32 s1, $0x0;
	_ =	strace $0x90000047  }
0x78: {  	s0 =	sadd.s32 @!p0 $0x100000, s0;
	[bflag:$0x2] =	sbarrier.arrive $0xFFFF  }
0x79: {  	[sflag:s0] =	ssyncadd.tile.s32 @!p0 $0x1;
	_ =	shalt  }
.Lfunc_end2:
_tile_overlayer_lowered:
.L_overlay_start_2:
0x7a: {  	(tag) =	ssettag $0x2  }
0x7b: {  	s0 =	rddreg [dreg:$0x0];
	s2 =	stileid.u32  }
0x7c: {  	s1 =	rddreg [dreg:$0x1];
	p0 =	sne.s32 s2, $0x0  }
0x7d: {  	s3 =	rddreg [dreg:$0x2];
	[bflag:$0x3] =	sbarrier.arrive $0xFFFF;
	s2 =	simm.s32 @!p0 $0x1C03  }
0x7e: {  	[timem:s3], [sflag:s2] =	dma.local @!p0 [hbm:s0], s1  }
0x7f: {  	s0 =	simm.s32 @!p0 $0x3  }
0x80: {  	_ =	swait.ge @!p0 [sflag:s0], s1  }
0x81: {  	s1 =	ssub.s32 @!p0 $0x0, s1;
	[sflag:s0] =	ssyncset.done @!p0 $0x0  }
0x82: {  	[sflag:s0] =	ssyncadd.s32 @!p0 s1  }
0x83: {  	[bflag:$0x3] =	sbarrier.arrive $0xFFFF  }
0x84: {  	_ =	shalt  }

// kernel: kernel.15.cloned.1.call-start
scs
__scs_entry_jumppad:
0x0: {  	(pc) =	sbr.rel $0x88, $3  }
0x1: {  	(tag) =	ssettag $0x0;
	lr =	simm.s32 $0x1  }
0x2: {  	[smem:$0x3F8D] =	sst lr;
	_ =	strace $0xD0000000  }
0x3: {  	_ = 	snop  }
0x4: {  	_ = 	snop  }
0x5: {  	_ = 	snop  }
0x6: {  	_ = 	snop  }
0x7: {  	_ = 	snop  }
__scs_overlays_trampoline_lowered:
0x8: {  	[smem:$0x3F9C] =	sst s0  }
0x9: {  	[smem:$0x3F9D] =	sst s1  }
0xa: {  	[smem:$0x3F9E] =	sst s2  }
0xb: {  	[smem:$0x3F9F] =	sst s3  }
0xc: {  	[smem:$0x3FA0] =	sst s4  }
0xd: {  	[smem:$0x3FA1] =	sst s5  }
0xe: {  	[smem:$0x3FA2] =	sst s6  }
0xf: {  	[smem:$0x3FA3] =	sst s7  }
0x10: {  	[smem:$0x3FA4] =	sst s8  }
0x11: {  	[smem:$0x3FA5] =	sst s9;
	s0 =	simm.s32 @!p0 $0x0  }
0x12: {  	s1 =	sld [smem:$0x3F8B];
	s0 =	simm.s32 @p0 $0x1  }
0x13: {  	[smem:$0x3FA6] =	sst s0;
	s0 =	simm.s32 @!p1 $0x0  }
0x14: {  	s2 =	sld [smem:$0x3F8A];
	s0 =	simm.s32 @p1 $0x1  }
0x15: {  	[smem:$0x3FA7] =	sst s0;
	s0 =	simm.s32 @!p2 $0x0  }
0x16: {  	s3 =	sld [smem:$0x3FDB];
	s0 =	simm.s32 @p2 $0x1  }
0x17: {  	s4 =	simm.s32 $0x1BF5;
	[smem:$0x3FA9] =	sst s0  }
0x18: {  	s0 =	sld [smem:$0x3F8C];
	_ =	swait.ge [sflag:s4], $0x0  }
0x19: {  	s7 =	sld [smem:$0x3F8D]  }
0x1a: {  	s8 =	sadd.s32 $0xFFFFE003, lr  }
0x1b: {  	s9 =	sadd.s32 $0xFFFFFEF7, lr;
	s5 =	simm.s32 $0xFFFFFFFF;
	p2 =	slt.u32 s8, $0xFFFFF086  }
0x1c: {  	p1 =	slt.u32 s9, $0xF7A;
	s5 =	simm.s32 @!p2 $0x0  }
0x1d: {  	s5 =	simm.s32 @p1 $0x1;
	p0 =	seq.s32 s7, s2  }
0x1e: {  	s7 =	smul.u32 @!p0 $0xF7A, s2;
	p2 =	seq.s32 @!p0 s5, $0x0  }
0x1f: {  	s9 =	smul.u32 $0xF7A, s1;
	s8 =	simm.s32 @!p0 $0x1BF5;
	p2 =	por !p2, p0  }
0x20: {  	[sflag:s8] =	ssyncset.s32 @!p0 $0xFFFFF086;
	s6 =	sadd.s32 @!p0 s3, s7;
	s7 =	simm.s32 @!p0 $0x108  }
0x21: {  	s3 =	sadd.s32 s3, s9;
	s6 =	sadd.s32 @!p0 $0x88, s6;
	s7 =	simm.s32 @p2 $0x1082  }
0x22: {  	[simem:s7], [sflag:s8] =	dma.local @!p0 [hbm:s6], $0xF7A  }
0x23: {  	s9 =	sor.u32 $0xD0000000, s2;
	s6 =	simm.s32 $0x108;
	_ =	swait.ge @!p0 [sflag:s8], $0x0  }
0x24: {  	s3 =	sadd.s32 $0x88, s3;
	s6 =	simm.s32 @!p1 $0x1082;
	[sflag:s4] =	ssyncset.s32 $0xFFFFF086  }
0x25: {  	[simem:s6], [sflag:s4] =	dma.local [hbm:s3], $0xF7A  }
0x26: {  	[smem:$0x3F8D] =	sst s1;
	(tag) =	ssettag s2;
	_ =	strace s9  }
0x27: {  	s1 =	sld [smem:$0x3F9D]  }
0x28: {  	s2 =	sld [smem:$0x3F9E]  }
0x29: {  	s4 =	sld [smem:$0x3FA0]  }
0x2a: {  	p0 =	seq.s32 s5, $0x0;
	s5 =	sld [smem:$0x3FA1]  }
0x2b: {  	s6 =	sld [smem:$0x3FA2]  }
0x2c: {  	s7 =	sld [smem:$0x3FA3]  }
0x2d: {  	s3 =	simm.s32 $0x108;
	s8 =	sld [smem:$0x3FA4]  }
0x2e: {  	s3 =	simm.s32 @!p0 $0x1082;
	s9 =	sld [smem:$0x3FA5]  }
0x2f: {  	lr =	sadd.s32 s0, s3;
	s0 =	sld [smem:$0x3F9C]  }
0x30: {  	s3 =	sld [smem:$0x3F9F]  }
0x31: {  	[smem:$0x3FA8] =	sst s10  }
0x32: {  	s10 =	sld [smem:$0x3FA6];
	_ =	sdelay $0x3  }
0x33: {  	p0 =	seq.s32 s10, $0x1;
	s10 =	sld [smem:$0x3FA8];
	_ =	sdelay $0x3  }
0x34: {  	[smem:$0x3FA8] =	sst s10  }
0x35: {  	s10 =	sld [smem:$0x3FA7];
	_ =	sdelay $0x3  }
0x36: {  	p1 =	seq.s32 s10, $0x1;
	s10 =	sld [smem:$0x3FA8];
	_ =	sdelay $0x3  }
0x37: {  	[smem:$0x3FA8] =	sst s10  }
0x38: {  	s10 =	sld [smem:$0x3FA9]  }
0x39: {  	_ = 	snop;
	(pc) =	sbr.ind lr, $3  }
0x3a: {  	_ = 	snop  }
0x3b: {  	_ = 	snop  }
0x3c: {  	p2 =	seq.s32 s10, $0x1;
	s10 =	sld [smem:$0x3FA8]  }
0x3d: {  	_ =	shalt  }
0x3e: {  	_ =	shalt  }
0x3f: {  	_ =	shalt  }
0x40: {  	_ =	shalt  }
0x41: {  	_ =	shalt  }
0x42: {  	_ =	shalt  }
0x43: {  	_ =	shalt  }
0x44: {  	_ =	shalt  }
0x45: {  	_ =	shalt  }
0x46: {  	_ =	shalt  }
0x47: {  	_ =	shalt  }
0x48: {  	_ =	shalt  }
0x49: {  	_ =	shalt  }
0x4a: {  	_ =	shalt  }
0x4b: {  	_ =	shalt  }
0x4c: {  	_ =	shalt  }
0x4d: {  	_ =	shalt  }
0x4e: {  	_ =	shalt  }
0x4f: {  	_ =	shalt  }
0x50: {  	_ =	shalt  }
0x51: {  	_ =	shalt  }
0x52: {  	_ =	shalt  }
0x53: {  	_ =	shalt  }
0x54: {  	_ =	shalt  }
0x55: {  	_ =	shalt  }
0x56: {  	_ =	shalt  }
0x57: {  	_ =	shalt  }
0x58: {  	_ =	shalt  }
0x59: {  	_ =	shalt  }
0x5a: {  	_ =	shalt  }
0x5b: {  	_ =	shalt  }
0x5c: {  	_ =	shalt  }
0x5d: {  	_ =	shalt  }
0x5e: {  	_ =	shalt  }
0x5f: {  	_ =	shalt  }
0x60: {  	_ =	shalt  }
0x61: {  	_ =	shalt  }
0x62: {  	_ =	shalt  }
0x63: {  	_ =	shalt  }
0x64: {  	_ =	shalt  }
0x65: {  	_ =	shalt  }
0x66: {  	_ =	shalt  }
0x67: {  	_ =	shalt  }
0x68: {  	_ =	shalt  }
0x69: {  	_ =	shalt  }
0x6a: {  	_ =	shalt  }
0x6b: {  	_ =	shalt  }
0x6c: {  	_ =	shalt  }
0x6d: {  	_ =	shalt  }
0x6e: {  	_ =	shalt  }
0x6f: {  	_ =	shalt  }
0x70: {  	_ =	shalt  }
0x71: {  	_ =	shalt  }
0x72: {  	_ =	shalt  }
0x73: {  	_ =	shalt  }
0x74: {  	_ =	shalt  }
0x75: {  	_ =	shalt  }
0x76: {  	_ =	shalt  }
0x77: {  	_ =	shalt  }
0x78: {  	_ =	shalt  }
0x79: {  	_ =	shalt  }
0x7a: {  	_ =	shalt  }
0x7b: {  	_ =	shalt  }
0x7c: {  	_ =	shalt  }
0x7d: {  	_ =	shalt  }
0x7e: {  	_ =	shalt  }
0x7f: {  	_ =	shalt  }
0x80: {  	_ =	shalt  }
0x81: {  	_ =	shalt  }
0x82: {  	_ =	shalt  }
0x83: {  	_ =	shalt  }
0x84: {  	_ =	shalt  }
0x85: {  	_ =	shalt  }
0x86: {  	_ =	shalt  }
0x87: {  	_ =	shalt  }
.Lfunc_end0:
.L_simem_size_0:
called_computation.1_lowered:
.L_overlay_start_0:
0x88: {  	s2 =	sld [smem:$0x3FD9]  }
0x89: {  	s3 =	sld [smem:$0x3FFE];
	_ =	sdelay $0x1  }
0x8a: {  	s1 =	srdreg.scid  }
0x8b: {  	s0 =	sand.u32 $0x1, s1  }
0x8c: {  	s16 =	sshll.u32 s0, $0xA;
	s2 =	sadd.s32 s3, s2  }
0x8d: {  	s2 =	sadd.s32 s2, s16  }
0x8e: {  	[smem:$0x3FB4] =	sst s2  }
0x8f: {  	_ = 	snop  }
0x90: {  	(tm) =	ssettm $0x1  }
0x91: {  	s17 =	sld [smem:$0x3FFB];
	_ =	sdelay $0x3  }
0x92: {  	_ =	strace s17  }
0x93: {  	s2 =	sld [smem:$0x3FFC];
	_ =	sdelay $0x3  }
0x94: {  	_ =	strace s2  }
0x95: {  	s2 =	sld [smem:$0x3FFD];
	_ =	sdelay $0x3  }
0x96: {  	_ =	strace s2  }
0x97: {  	_ =	strace $0x8FFFFFFF  }
0x98: {  	s18 =	sld [smem:$0x3FDB];
	_ =	sdelay $0x1  }
0x99: {  	s19 =	simm.s32 $_scs_section_size  }
0x9a: {  	s4 =	simm.s32 $_size__tile_overlayer_lowered;
	s5 =	simm.s32 $_tile_overlayer_lowered  }
0x9b: {  	s22 =	simm.s32 $0x1BFF;
	s21 =	sshll.u32 s5, $0x1;
	s2 =	sadd.s32 s19, s18  }
0x9c: {  	s6 =	simm.s32 $0x0;
	s20 =	sshll.u32 s4, $0x1;
	s4 =	sadd.s32 s21, s2  }
0x9d: {  	[timem:s6], [sflag:s22] =	dma.local [hbm:s4], s20  }
0x9e: {  	_ =	swait.ge [sflag:s22], s20  }
0x9f: {  	s3 =	ssub.s32 $0x0, s20;
	[sflag:s22] =	ssyncset.done $0x0  }
0xa0: {  	[sflag:s22] =	ssyncadd.s32 s3;
	_ =	sdelay $0x1  }
0xa1: {  	s23 =	simm.s32 $0x1B8B  }
0xa2: {  	_ =	swait.ge [sflag:s23], $0x1  }
0xa3: {  	[sflag:s23] =	ssyncset.done $0x0  }
0xa4: {  	s25 =	simm.s32 $0x1B8E;
	s24 =	sld [smem:$0x3FFE];
	[sflag:s23] =	ssyncadd.s32 $0xFFFFFFFF  }
0xa5: {  	s26 =	simm.s32 $execute0_lowered;
	[smem:$0x3FD2] =	sst s25  }
0xa6: {  	s4 =	sshll.u32 s26, $0x1;
	_ =	strace $0x80000049;
	[dreg:$0x1] =	wrdreg $0xFFFFFFFF  }
0xa7: {  	s28 =	simm.s32 $_size_execute0_lowered;
	s2 =	sadd.s32 s2, s4;
	[dreg:$0x0] =	wrdreg $0x0  }
0xa8: {  	s4 =	sshll.u32 s28, $0x1;
	[dreg:$0x2] =	wrdreg s2  }
0xa9: {  	[dreg:$0x3] =	wrdreg s4  }
0xaa: {  	[dreg:$0x4] =	wrdreg $0xC0  }
0xab: {  	_ =	task [dreg:s6], $0x5FFFF  }
0xac: {  	[dreg:$0x1] =	wrdreg $0xFFFFFFFF  }
0xad: {  	[dreg:$0x0] =	wrdreg $0x60  }
0xae: {  	[dreg:$0x2] =	wrdreg s24  }
0xaf: {  	[dreg:$0x3] =	wrdreg $0x9  }
0xb0: {  	_ =	task.clear_ibuf [dreg:s6], $0x4FFFF;
	_ =	strace $0x90000049  }
0xb1: {  	s29 =	simm.s32 $0x9;
	_ =	strace $0x8000004B  }
0xb2: {  	_ =	swait.ge [sflag:s29], $0x1  }
0xb3: {  	[sflag:s29] =	ssyncadd.s32 $0xFFFFFFFF  }
0xb4: {  	_ =	strace $0x9000004B  }
0xb5: {  	_ =	sfence  }
0xb6: {  	s30 =	sld [smem:$0x0];
	_ =	sdelay $0x2  }
0xb7: {  	s31 =	sshll.u32 s1, $0xD;
	s1 =	sshrl.u32 s1, $0x2  }
0xb8: {  	s3 =	sand.u32 $0x4000, s31;
	s1 =	sadd.s32 s1, s30  }
0xb9: {  	s0 =	sor.u32 s3, s0;
	s1 =	sshll.u32 s1, $0x11  }
0xba: {  	s0 =	sor.u32 s1, s0  }
0xbb: {  	s0 =	sadd.s32 $0x8F2B, s0  }
0xbc: {  	[sflag:s0] =	ssyncadd.remote.s32 $0x1  }
0xbd: {  	_ =	sfence.sel $0xFFFF  }
0xbe: {  	[dreg:$0x0] =	wrdreg $0xFFFFFFFF;
	(pc) =	sbr.abs _section_cstart, $3  }
0xbf: {  	[dreg:$0x1] =	wrdreg $0xFFFFFFFF  }
0xc0: {  	_ =	task.clear_ibuf [dreg:s6], $0x2FFFF;
	_ =	strace $0x9FFFFFFF  }
0xc1: {  	(tm) =	ssettm $0x7FFFFFFF  }
tec
execute0_lowered:
.L_overlay_start_1:
0x0: {  	(tag) =	ssettag $0x1  }
0x1: {  	s4 =	rddreg [dreg:$0x0]  }
0x2: {  	s0 =	rddreg [dreg:$0x1]  }
0x3: {  	s3 =	srdreg.scid;
	s1 =	stileid.u32;
	s2 =	simm.s32 $0x0  }
0x4: {  	s16 =	simm.s32 $0x8200;
	s17 =	simm.s32 $0x1;
	s18 =	simm.s32 $0x2  }
0x5: {  	s19 =	simm.s32 $0x0;
	s6 =	sand.u32 $0x1, s3;
	s10 =	smul.u32 $0x5000, s1  }
0x6: {  	s24 =	sshll.u32 s1, $0x1;
	[smem:$0x7FF] =	sst s2;
	s13 =	smul.u32 $0x280000, s1  }
0x7: {  	s3 =	sadd.s32 $0xC3C00, s4;
	s12 =	sadd.s32 $0x83C00, s4;
	s26 =	smul.u32 $0x2800, s6  }
0x8: {  	s5 =	sor.u32 s6, s24;
	s8 =	ssub.s32 $0x2, s6;
	s14 =	smul.u32 $0x140000, s6  }
0x9: {  	s11 =	sadd.s32 $0x103C00, s4;
	s7 =	smul.u32 $0x2800, s5;
	s25 =	sshrl.u32 s8, $0x1  }
0xa: {  	_ =	strace $0x8000004A;
	s9 =	smul.u32 $0x140000, s5;
	s5 =	ssub.s32 s8, s25  }
0xb: {  	s10 =	sadd.s32 s26, s10;
	s13 =	sadd.s32 s14, s13;
	s7 =	sshrl.u32 s7, $0x3  }
0xc: {  	s5 =	smax.u32 s5, $0x1;
	s28 =	sshrl.u32 s9, $0x3;
	s30 =	sor.u32 $0x200, s10  }
0xd: {  	s14 =	sshrl.u32 s13, $0x3;
	s13 =	sor.u32 $0x8000, s13;
	s15 =	sor.u32 $0x100, s10  }
0xe: {  	s4 =	sadd.s32 s12, s7;
	s29 =	sadd.s32 s11, s28;
	s9 =	sshrl.u32 s30, $0x3  }
0xf: {  	s10 =	sadd.s32 s14, s11;
	s13 =	sshrl.u32 s13, $0x3;
	s31 =	sshrl.u32 s15, $0x3  }
0x10: {  	s14 =	simm.s32 $0x100;
	s15 =	simm.s32 $0x200;
	s6 =	sadd.s32 $0x4E0, s4  }
0x11: {  	s7 =	sadd.s32 $0x26000, s29;
	s8 =	sadd.s32 $0x27000, s29;
	s9 =	sadd.s32 s9, s12  }
0x12: {  	s11 =	sadd.s32 s13, s11;
	s12 =	sadd.s32 s31, s12;
	s13 =	simm.s32 $0x3  }
.LBB2_1:
0x13: {  	[tilespmem:s2], [sflag:$0x3] =	stream.linear.gather [hbm4b:s4+s2], $0x100, $0x38;
	[tilespmem:$0x10200] =	vst v63  }
0x14: {  	_ =	swait.ge [sflag:s13], $0x100  }
0x15: {  	[sflag:s13] =	ssyncset.done $0x0  }
0x16: {  	[sflag:s13] =	ssyncadd.s32 $0xFFFFFF00  }
0x17: {  	[tilespmem:s15], [sflag:$0x1] =	stream.indirect.gather [hbm4b:s3+s14], $0x80, s2, s14, $0xb8;
	[tilespmem:$0x10200] =	vst v63  }
0x18: {  	s20 =	sadd.s32 $0x0, s12  }
0x19: {  	[tilespmem:s14], [sflag:$0x3] =	stream.linear.gather [hbm4b:s20+s2], $0x100, $0x38;
	[tilespmem:$0x10200] =	vst v63  }
0x1a: {  	_ =	swait.ge [sflag:s13], $0x100  }
0x1b: {  	[sflag:s13] =	ssyncset.done $0x0  }
0x1c: {  	[sflag:s13] =	ssyncadd.s32 $0xFFFFFF00  }
0x1d: {  	[tilespmem:s16], [sflag:$0x2] =	stream.indirect.gather [hbm4b:s3+s14], $0x80, s14, s14, $0xb8;
	[tilespmem:$0x10200] =	vst v63  }
0x1e: {  	_ =	swait.ge [sflag:s17], $0x8000  }
0x1f: {  	[sflag:s17] =	ssyncset.done $0x0  }
0x20: {  	[sflag:s17] =	ssyncadd.s32 $0xFFFF8000  }
0x21: {  	[hbm4b:s10+s2] =	stream.linear.scatter [tilespmem:s15], [sflag:$0x3], $0x8000, $0x38;
	[tilespmem:$0x10200] =	vst v63  }
0x22: {  	_ =	swait.ge [sflag:s13], $0x8000  }
0x23: {  	[sflag:s13] =	ssyncset.done $0x0  }
0x24: {  	s31 =	sadd.s32 $0x0, s9;
	[sflag:s13] =	ssyncadd.s32 $0xFFFF8000  }
0x25: {  	[tilespmem:s2], [sflag:$0x3] =	stream.linear.gather [hbm4b:s31+s2], $0x100, $0x38;
	[tilespmem:$0x10200] =	vst v63  }
0x26: {  	_ =	swait.ge [sflag:s13], $0x100  }
0x27: {  	[sflag:s13] =	ssyncset.done $0x0  }
0x28: {  	[sflag:s13] =	ssyncadd.s32 $0xFFFFFF00  }
0x29: {  	[tilespmem:s15], [sflag:$0x1] =	stream.indirect.gather [hbm4b:s3+s14], $0x80, s2, s14, $0xb8;
	[tilespmem:$0x10200] =	vst v63  }
0x2a: {  	_ =	swait.ge [sflag:s18], $0x8000  }
0x2b: {  	[sflag:s18] =	ssyncset.done $0x0  }
0x2c: {  	[sflag:s18] =	ssyncadd.s32 $0xFFFF8000  }
0x2d: {  	[hbm4b:s11+s2] =	stream.linear.scatter [tilespmem:s16], [sflag:$0x3], $0x8000, $0x38;
	[tilespmem:$0x10200] =	vst v63  }
0x2e: {  	s21 =	simm.s32 $0x40;
	s23 =	simm.s32 $0x80;
	_ =	swait.ge [sflag:s13], $0x8000  }
0x2f: {  	s22 =	sadd.s32 $0x2000, s10;
	s20 =	sadd.s32 $0x2000, s11;
	[sflag:s13] =	ssyncset.done $0x0  }
.LBB2_2:
0x30: {  	s24 =	sadd.s32 s21, s12  }
0x31: {  	[sflag:s13] =	ssyncadd.s32 $0xFFFF8000;
	s25 =	smov.u32 s23;
	s26 =	sadd.s32 $0x40, s23  }
0x32: {  	[tilespmem:s14], [sflag:$0x3] =	stream.linear.gather [hbm4b:s24+s2], $0x100, $0x38;
	[tilespmem:$0x10200] =	vst v63  }
0x33: {  	p0 =	sne.s32 s23, $0x480;
	_ =	swait.ge [sflag:s13], $0x100  }
0x34: {  	[sflag:s13] =	ssyncset.done $0x0  }
0x35: {  	[sflag:s13] =	ssyncadd.s32 $0xFFFFFF00  }
0x36: {  	[tilespmem:s16], [sflag:$0x2] =	stream.indirect.gather [hbm4b:s3+s14], $0x80, s14, s14, $0xb8;
	[tilespmem:$0x10200] =	vst v63  }
0x37: {  	_ =	swait.ge [sflag:s17], $0x8000  }
0x38: {  	[sflag:s17] =	ssyncset.done $0x0  }
0x39: {  	[sflag:s17] =	ssyncadd.s32 $0xFFFF8000  }
0x3a: {  	[hbm4b:s22+s2] =	stream.linear.scatter [tilespmem:s15], [sflag:$0x3], $0x8000, $0x38;
	[tilespmem:$0x10200] =	vst v63  }
0x3b: {  	_ =	swait.ge [sflag:s13], $0x8000  }
0x3c: {  	[sflag:s13] =	ssyncset.done $0x0  }
0x3d: {  	s23 =	sadd.s32 s21, s9;
	s21 =	smov.u32 s25;
	[sflag:s13] =	ssyncadd.s32 $0xFFFF8000  }
0x3e: {  	[tilespmem:s2], [sflag:$0x3] =	stream.linear.gather [hbm4b:s23+s2], $0x100, $0x38;
	[tilespmem:$0x10200] =	vst v63  }
0x3f: {  	_ =	swait.ge [sflag:s13], $0x100  }
0x40: {  	[sflag:s13] =	ssyncset.done $0x0  }
0x41: {  	[sflag:s13] =	ssyncadd.s32 $0xFFFFFF00  }
0x42: {  	[tilespmem:s15], [sflag:$0x1] =	stream.indirect.gather [hbm4b:s3+s14], $0x80, s2, s14, $0xb8;
	[tilespmem:$0x10200] =	vst v63  }
0x43: {  	_ =	swait.ge [sflag:s18], $0x8000  }
.Ltmp0:
0x44: {  	[sflag:s18] =	ssyncset.done $0x0;
	(pc) =	sbr.rel @p0 .LBB2_2-.Ltmp0, $4  }
0x45: {  	[sflag:s18] =	ssyncadd.s32 $0xFFFF8000  }
0x46: {  	[hbm4b:s20+s2] =	stream.linear.scatter [tilespmem:s16], [sflag:$0x3], $0x8000, $0x38;
	[tilespmem:$0x10200] =	vst v63  }
0x47: {  	s22 =	sadd.s32 $0x2000, s22;
	_ =	swait.ge [sflag:s13], $0x8000  }
0x48: {  	s23 =	smov.u32 s26;
	s20 =	sadd.s32 $0x2000, s20;
	[sflag:s13] =	ssyncset.done $0x0  }
0x49: {  	s23 =	sadd.s32 s21, s12;
	[sflag:s13] =	ssyncadd.s32 $0xFFFF8000  }
0x4a: {  	[tilespmem:s14], [sflag:$0x3] =	stream.linear.gather [hbm4b:s23+s2], $0x100, $0x38;
	[tilespmem:$0x10200] =	vst v63  }
0x4b: {  	_ =	swait.ge [sflag:s13], $0x100  }
0x4c: {  	[sflag:s13] =	ssyncset.done $0x0  }
0x4d: {  	[sflag:s13] =	ssyncadd.s32 $0xFFFFFF00  }
0x4e: {  	[tilespmem:s16], [sflag:$0x2] =	stream.indirect.gather [hbm4b:s3+s14], $0x80, s14, s14, $0xb8;
	[tilespmem:$0x10200] =	vst v63  }
0x4f: {  	_ =	swait.ge [sflag:s17], $0x8000  }
0x50: {  	[sflag:s17] =	ssyncset.done $0x0  }
0x51: {  	[sflag:s17] =	ssyncadd.s32 $0xFFFF8000  }
0x52: {  	[hbm4b:s22+s2] =	stream.linear.scatter [tilespmem:s15], [sflag:$0x3], $0x8000, $0x38;
	[tilespmem:$0x10200] =	vst v63  }
0x53: {  	_ =	swait.ge [sflag:s13], $0x8000  }
0x54: {  	[sflag:s13] =	ssyncset.done $0x0  }
0x55: {  	s31 =	sadd.s32 s21, s9;
	[sflag:s13] =	ssyncadd.s32 $0xFFFF8000  }
0x56: {  	[tilespmem:s2], [sflag:$0x3] =	stream.linear.gather [hbm4b:s31+s2], $0x100, $0x38;
	[tilespmem:$0x10200] =	vst v63  }
0x57: {  	_ =	swait.ge [sflag:s13], $0x100  }
0x58: {  	[sflag:s13] =	ssyncset.done $0x0  }
0x59: {  	[sflag:s13] =	ssyncadd.s32 $0xFFFFFF00  }
0x5a: {  	[tilespmem:s15], [sflag:$0x1] =	stream.indirect.gather [hbm4b:s3+s14], $0x80, s2, s14, $0xb8;
	[tilespmem:$0x10200] =	vst v63  }
0x5b: {  	_ =	swait.ge [sflag:s18], $0x8000  }
0x5c: {  	[sflag:s18] =	ssyncset.done $0x0  }
0x5d: {  	[sflag:s18] =	ssyncadd.s32 $0xFFFF8000  }
0x5e: {  	[hbm4b:s20+s2] =	stream.linear.scatter [tilespmem:s16], [sflag:$0x3], $0x8000, $0x38;
	[tilespmem:$0x10200] =	vst v63  }
0x5f: {  	_ =	swait.ge [sflag:s13], $0x8000  }
0x60: {  	[sflag:s13] =	ssyncset.done $0x0  }
0x61: {  	[sflag:s13] =	ssyncadd.s32 $0xFFFF8000  }
0x62: {  	[tilespmem:s14], [sflag:$0x3] =	stream.linear.gather [hbm4b:s6+s2], $0x100, $0x38;
	[tilespmem:$0x10200] =	vst v63  }
0x63: {  	_ =	swait.ge [sflag:s13], $0x100  }
0x64: {  	[sflag:s13] =	ssyncset.done $0x0  }
0x65: {  	[sflag:s13] =	ssyncadd.s32 $0xFFFFFF00  }
0x66: {  	[tilespmem:s16], [sflag:$0x2] =	stream.indirect.gather [hbm4b:s3+s14], $0x80, s14, s14, $0xb8;
	[tilespmem:$0x10200] =	vst v63  }
0x67: {  	_ =	swait.ge [sflag:s17], $0x8000  }
0x68: {  	[sflag:s17] =	ssyncset.done $0x0  }
0x69: {  	[sflag:s17] =	ssyncadd.s32 $0xFFFF8000  }
0x6a: {  	[hbm4b:s7+s2] =	stream.linear.scatter [tilespmem:s15], [sflag:$0x3], $0x8000, $0x38;
	[tilespmem:$0x10200] =	vst v63  }
0x6b: {  	_ =	swait.ge [sflag:s13], $0x8000  }
0x6c: {  	[sflag:s13] =	ssyncset.done $0x0  }
0x6d: {  	[sflag:s13] =	ssyncadd.s32 $0xFFFF8000  }
0x6e: {  	s19 =	sadd.s32 $0x1, s19;
	_ =	swait.ge [sflag:s18], $0x8000  }
0x6f: {  	p0 =	sne.s32 s19, s5;
	[sflag:s18] =	ssyncset.done $0x0  }
.Ltmp1:
0x70: {  	[sflag:s18] =	ssyncadd.s32 $0xFFFF8000;
	(pc) =	sbr.rel @p0 .LBB2_1-.Ltmp1, $4  }
0x71: {  	[hbm4b:s8+s2] =	stream.linear.scatter [tilespmem:s16], [sflag:$0x3], $0x8000, $0x38;
	[tilespmem:$0x10200] =	vst v63  }
0x72: {  	_ =	swait.ge [sflag:s13], $0x8000  }
0x73: {  	[sflag:s13] =	ssyncset.done $0x0  }
0x74: {  	[sflag:s13] =	ssyncadd.s32 $0xFFFF8000  }
0x75: {  	_ =	sfence.sel $0x180000  }
0x76: {  	[bflag:$0x0] =	sbarrier.arrive $0xFFFF  }
0x77: {  	p0 =	sne.s32 s1, $0x0;
	_ =	strace $0x9000004A  }
0x78: {  	s0 =	sadd.s32 @!p0 $0x100000, s0;
	[bflag:$0x2] =	sbarrier.arrive $0xFFFF  }
0x79: {  	[sflag:s0] =	ssyncadd.tile.s32 @!p0 $0x1;
	_ =	shalt  }
.Lfunc_end2:
_tile_overlayer_lowered:
.L_overlay_start_2:
0x7a: {  	(tag) =	ssettag $0x2  }
0x7b: {  	s0 =	rddreg [dreg:$0x0];
	s2 =	stileid.u32  }
0x7c: {  	s1 =	rddreg [dreg:$0x1];
	p0 =	sne.s32 s2, $0x0  }
0x7d: {  	s3 =	rddreg [dreg:$0x2];
	[bflag:$0x3] =	sbarrier.arrive $0xFFFF;
	s2 =	simm.s32 @!p0 $0x1C03  }
0x7e: {  	[timem:s3], [sflag:s2] =	dma.local @!p0 [hbm:s0], s1  }
0x7f: {  	s0 =	simm.s32 @!p0 $0x3  }
0x80: {  	_ =	swait.ge @!p0 [sflag:s0], s1  }
0x81: {  	s1 =	ssub.s32 @!p0 $0x0, s1;
	[sflag:s0] =	ssyncset.done @!p0 $0x0  }
0x82: {  	[sflag:s0] =	ssyncadd.s32 @!p0 s1  }
0x83: {  	[bflag:$0x3] =	sbarrier.arrive $0xFFFF  }
0x84: {  	_ =	shalt  }

// kernel: kernel.18.cloned.1.call-start
scs
__scs_entry_jumppad:
0x0: {  	(pc) =	sbr.rel $0x88, $3  }
0x1: {  	(tag) =	ssettag $0x0;
	lr =	simm.s32 $0x1  }
0x2: {  	[smem:$0x3F8D] =	sst lr;
	_ =	strace $0xD0000000  }
0x3: {  	_ = 	snop  }
0x4: {  	_ = 	snop  }
0x5: {  	_ = 	snop  }
0x6: {  	_ = 	snop  }
0x7: {  	_ = 	snop  }
__scs_overlays_trampoline_lowered:
0x8: {  	[smem:$0x3F9C] =	sst s0  }
0x9: {  	[smem:$0x3F9D] =	sst s1  }
0xa: {  	[smem:$0x3F9E] =	sst s2  }
0xb: {  	[smem:$0x3F9F] =	sst s3  }
0xc: {  	[smem:$0x3FA0] =	sst s4  }
0xd: {  	[smem:$0x3FA1] =	sst s5  }
0xe: {  	[smem:$0x3FA2] =	sst s6  }
0xf: {  	[smem:$0x3FA3] =	sst s7  }
0x10: {  	[smem:$0x3FA4] =	sst s8  }
0x11: {  	[smem:$0x3FA5] =	sst s9;
	s0 =	simm.s32 @!p0 $0x0  }
0x12: {  	s1 =	sld [smem:$0x3F8B];
	s0 =	simm.s32 @p0 $0x1  }
0x13: {  	[smem:$0x3FA6] =	sst s0;
	s0 =	simm.s32 @!p1 $0x0  }
0x14: {  	s2 =	sld [smem:$0x3F8A];
	s0 =	simm.s32 @p1 $0x1  }
0x15: {  	[smem:$0x3FA7] =	sst s0;
	s0 =	simm.s32 @!p2 $0x0  }
0x16: {  	s3 =	sld [smem:$0x3FDB];
	s0 =	simm.s32 @p2 $0x1  }
0x17: {  	s4 =	simm.s32 $0x1BF5;
	[smem:$0x3FA9] =	sst s0  }
0x18: {  	s0 =	sld [smem:$0x3F8C];
	_ =	swait.ge [sflag:s4], $0x0  }
0x19: {  	s7 =	sld [smem:$0x3F8D]  }
0x1a: {  	s8 =	sadd.s32 $0xFFFFE003, lr  }
0x1b: {  	s9 =	sadd.s32 $0xFFFFFEF7, lr;
	s5 =	simm.s32 $0xFFFFFFFF;
	p2 =	slt.u32 s8, $0xFFFFF086  }
0x1c: {  	p1 =	slt.u32 s9, $0xF7A;
	s5 =	simm.s32 @!p2 $0x0  }
0x1d: {  	s5 =	simm.s32 @p1 $0x1;
	p0 =	seq.s32 s7, s2  }
0x1e: {  	s7 =	smul.u32 @!p0 $0xF7A, s2;
	p2 =	seq.s32 @!p0 s5, $0x0  }
0x1f: {  	s9 =	smul.u32 $0xF7A, s1;
	s8 =	simm.s32 @!p0 $0x1BF5;
	p2 =	por !p2, p0  }
0x20: {  	[sflag:s8] =	ssyncset.s32 @!p0 $0xFFFFF086;
	s6 =	sadd.s32 @!p0 s3, s7;
	s7 =	simm.s32 @!p0 $0x108  }
0x21: {  	s3 =	sadd.s32 s3, s9;
	s6 =	sadd.s32 @!p0 $0x88, s6;
	s7 =	simm.s32 @p2 $0x1082  }
0x22: {  	[simem:s7], [sflag:s8] =	dma.local @!p0 [hbm:s6], $0xF7A  }
0x23: {  	s9 =	sor.u32 $0xD0000000, s2;
	s6 =	simm.s32 $0x108;
	_ =	swait.ge @!p0 [sflag:s8], $0x0  }
0x24: {  	s3 =	sadd.s32 $0x88, s3;
	s6 =	simm.s32 @!p1 $0x1082;
	[sflag:s4] =	ssyncset.s32 $0xFFFFF086  }
0x25: {  	[simem:s6], [sflag:s4] =	dma.local [hbm:s3], $0xF7A  }
0x26: {  	[smem:$0x3F8D] =	sst s1;
	(tag) =	ssettag s2;
	_ =	strace s9  }
0x27: {  	s1 =	sld [smem:$0x3F9D]  }
0x28: {  	s2 =	sld [smem:$0x3F9E]  }
0x29: {  	s4 =	sld [smem:$0x3FA0]  }
0x2a: {  	p0 =	seq.s32 s5, $0x0;
	s5 =	sld [smem:$0x3FA1]  }
0x2b: {  	s6 =	sld [smem:$0x3FA2]  }
0x2c: {  	s7 =	sld [smem:$0x3FA3]  }
0x2d: {  	s3 =	simm.s32 $0x108;
	s8 =	sld [smem:$0x3FA4]  }
0x2e: {  	s3 =	simm.s32 @!p0 $0x1082;
	s9 =	sld [smem:$0x3FA5]  }
0x2f: {  	lr =	sadd.s32 s0, s3;
	s0 =	sld [smem:$0x3F9C]  }
0x30: {  	s3 =	sld [smem:$0x3F9F]  }
0x31: {  	[smem:$0x3FA8] =	sst s10  }
0x32: {  	s10 =	sld [smem:$0x3FA6];
	_ =	sdelay $0x3  }
0x33: {  	p0 =	seq.s32 s10, $0x1;
	s10 =	sld [smem:$0x3FA8];
	_ =	sdelay $0x3  }
0x34: {  	[smem:$0x3FA8] =	sst s10  }
0x35: {  	s10 =	sld [smem:$0x3FA7];
	_ =	sdelay $0x3  }
0x36: {  	p1 =	seq.s32 s10, $0x1;
	s10 =	sld [smem:$0x3FA8];
	_ =	sdelay $0x3  }
0x37: {  	[smem:$0x3FA8] =	sst s10  }
0x38: {  	s10 =	sld [smem:$0x3FA9]  }
0x39: {  	_ = 	snop;
	(pc) =	sbr.ind lr, $3  }
0x3a: {  	_ = 	snop  }
0x3b: {  	_ = 	snop  }
0x3c: {  	p2 =	seq.s32 s10, $0x1;
	s10 =	sld [smem:$0x3FA8]  }
0x3d: {  	_ =	shalt  }
0x3e: {  	_ =	shalt  }
0x3f: {  	_ =	shalt  }
0x40: {  	_ =	shalt  }
0x41: {  	_ =	shalt  }
0x42: {  	_ =	shalt  }
0x43: {  	_ =	shalt  }
0x44: {  	_ =	shalt  }
0x45: {  	_ =	shalt  }
0x46: {  	_ =	shalt  }
0x47: {  	_ =	shalt  }
0x48: {  	_ =	shalt  }
0x49: {  	_ =	shalt  }
0x4a: {  	_ =	shalt  }
0x4b: {  	_ =	shalt  }
0x4c: {  	_ =	shalt  }
0x4d: {  	_ =	shalt  }
0x4e: {  	_ =	shalt  }
0x4f: {  	_ =	shalt  }
0x50: {  	_ =	shalt  }
0x51: {  	_ =	shalt  }
0x52: {  	_ =	shalt  }
0x53: {  	_ =	shalt  }
0x54: {  	_ =	shalt  }
0x55: {  	_ =	shalt  }
0x56: {  	_ =	shalt  }
0x57: {  	_ =	shalt  }
0x58: {  	_ =	shalt  }
0x59: {  	_ =	shalt  }
0x5a: {  	_ =	shalt  }
0x5b: {  	_ =	shalt  }
0x5c: {  	_ =	shalt  }
0x5d: {  	_ =	shalt  }
0x5e: {  	_ =	shalt  }
0x5f: {  	_ =	shalt  }
0x60: {  	_ =	shalt  }
0x61: {  	_ =	shalt  }
0x62: {  	_ =	shalt  }
0x63: {  	_ =	shalt  }
0x64: {  	_ =	shalt  }
0x65: {  	_ =	shalt  }
0x66: {  	_ =	shalt  }
0x67: {  	_ =	shalt  }
0x68: {  	_ =	shalt  }
0x69: {  	_ =	shalt  }
0x6a: {  	_ =	shalt  }
0x6b: {  	_ =	shalt  }
0x6c: {  	_ =	shalt  }
0x6d: {  	_ =	shalt  }
0x6e: {  	_ =	shalt  }
0x6f: {  	_ =	shalt  }
0x70: {  	_ =	shalt  }
0x71: {  	_ =	shalt  }
0x72: {  	_ =	shalt  }
0x73: {  	_ =	shalt  }
0x74: {  	_ =	shalt  }
0x75: {  	_ =	shalt  }
0x76: {  	_ =	shalt  }
0x77: {  	_ =	shalt  }
0x78: {  	_ =	shalt  }
0x79: {  	_ =	shalt  }
0x7a: {  	_ =	shalt  }
0x7b: {  	_ =	shalt  }
0x7c: {  	_ =	shalt  }
0x7d: {  	_ =	shalt  }
0x7e: {  	_ =	shalt  }
0x7f: {  	_ =	shalt  }
0x80: {  	_ =	shalt  }
0x81: {  	_ =	shalt  }
0x82: {  	_ =	shalt  }
0x83: {  	_ =	shalt  }
0x84: {  	_ =	shalt  }
0x85: {  	_ =	shalt  }
0x86: {  	_ =	shalt  }
0x87: {  	_ =	shalt  }
.Lfunc_end0:
.L_simem_size_0:
called_computation.2_lowered:
.L_overlay_start_0:
0x88: {  	s2 =	sld [smem:$0x3FD9]  }
0x89: {  	s3 =	sld [smem:$0x3FFE];
	_ =	sdelay $0x1  }
0x8a: {  	s1 =	srdreg.scid  }
0x8b: {  	s0 =	sand.u32 $0x1, s1  }
0x8c: {  	s16 =	sshll.u32 s0, $0xA;
	s2 =	sadd.s32 s3, s2  }
0x8d: {  	s2 =	sadd.s32 s2, s16  }
0x8e: {  	[smem:$0x3FB4] =	sst s2  }
0x8f: {  	_ = 	snop  }
0x90: {  	(tm) =	ssettm $0x1  }
0x91: {  	s17 =	sld [smem:$0x3FFB];
	_ =	sdelay $0x3  }
0x92: {  	_ =	strace s17  }
0x93: {  	s2 =	sld [smem:$0x3FFC];
	_ =	sdelay $0x3  }
0x94: {  	_ =	strace s2  }
0x95: {  	s2 =	sld [smem:$0x3FFD];
	_ =	sdelay $0x3  }
0x96: {  	_ =	strace s2  }
0x97: {  	_ =	strace $0x8FFFFFFF  }
0x98: {  	s18 =	sld [smem:$0x3FDB];
	_ =	sdelay $0x1  }
0x99: {  	s19 =	simm.s32 $_scs_section_size  }
0x9a: {  	s4 =	simm.s32 $_size__tile_overlayer_lowered;
	s5 =	simm.s32 $_tile_overlayer_lowered  }
0x9b: {  	s22 =	simm.s32 $0x1BFF;
	s21 =	sshll.u32 s5, $0x1;
	s2 =	sadd.s32 s19, s18  }
0x9c: {  	s6 =	simm.s32 $0x0;
	s20 =	sshll.u32 s4, $0x1;
	s4 =	sadd.s32 s21, s2  }
0x9d: {  	[timem:s6], [sflag:s22] =	dma.local [hbm:s4], s20  }
0x9e: {  	_ =	swait.ge [sflag:s22], s20  }
0x9f: {  	s3 =	ssub.s32 $0x0, s20;
	[sflag:s22] =	ssyncset.done $0x0  }
0xa0: {  	[sflag:s22] =	ssyncadd.s32 s3;
	_ =	sdelay $0x1  }
0xa1: {  	s23 =	simm.s32 $0x1B8B  }
0xa2: {  	_ =	swait.ge [sflag:s23], $0x1  }
0xa3: {  	[sflag:s23] =	ssyncset.done $0x0  }
0xa4: {  	s25 =	simm.s32 $0x1B8E;
	s24 =	sld [smem:$0x3FFE];
	[sflag:s23] =	ssyncadd.s32 $0xFFFFFFFF  }
0xa5: {  	s26 =	simm.s32 $execute0_lowered;
	[smem:$0x3FD2] =	sst s25  }
0xa6: {  	s4 =	sshll.u32 s26, $0x1;
	_ =	strace $0x8000004C;
	[dreg:$0x1] =	wrdreg $0xFFFFFFFF  }
0xa7: {  	s28 =	simm.s32 $_size_execute0_lowered;
	s2 =	sadd.s32 s2, s4;
	[dreg:$0x0] =	wrdreg $0x0  }
0xa8: {  	s4 =	sshll.u32 s28, $0x1;
	[dreg:$0x2] =	wrdreg s2  }
0xa9: {  	[dreg:$0x3] =	wrdreg s4  }
0xaa: {  	[dreg:$0x4] =	wrdreg $0xC0  }
0xab: {  	_ =	task [dreg:s6], $0x5FFFF  }
0xac: {  	[dreg:$0x1] =	wrdreg $0xFFFFFFFF  }
0xad: {  	[dreg:$0x0] =	wrdreg $0x60  }
0xae: {  	[dreg:$0x2] =	wrdreg s24  }
0xaf: {  	[dreg:$0x3] =	wrdreg $0x9  }
0xb0: {  	_ =	task.clear_ibuf [dreg:s6], $0x4FFFF;
	_ =	strace $0x9000004C  }
0xb1: {  	s29 =	simm.s32 $0x9;
	_ =	strace $0x8000004E  }
0xb2: {  	_ =	swait.ge [sflag:s29], $0x1  }
0xb3: {  	[sflag:s29] =	ssyncadd.s32 $0xFFFFFFFF  }
0xb4: {  	_ =	strace $0x9000004E  }
0xb5: {  	_ =	sfence  }
0xb6: {  	s30 =	sld [smem:$0x0];
	_ =	sdelay $0x2  }
0xb7: {  	s31 =	sshll.u32 s1, $0xD;
	s1 =	sshrl.u32 s1, $0x2  }
0xb8: {  	s3 =	sand.u32 $0x4000, s31;
	s1 =	sadd.s32 s1, s30  }
0xb9: {  	s0 =	sor.u32 s3, s0;
	s1 =	sshll.u32 s1, $0x11  }
0xba: {  	s0 =	sor.u32 s1, s0  }
0xbb: {  	s0 =	sadd.s32 $0x8F2B, s0  }
0xbc: {  	[sflag:s0] =	ssyncadd.remote.s32 $0x1  }
0xbd: {  	_ =	sfence.sel $0xFFFF  }
0xbe: {  	[dreg:$0x0] =	wrdreg $0xFFFFFFFF;
	(pc) =	sbr.abs _section_cstart, $3  }
0xbf: {  	[dreg:$0x1] =	wrdreg $0xFFFFFFFF  }
0xc0: {  	_ =	task.clear_ibuf [dreg:s6], $0x2FFFF;
	_ =	strace $0x9FFFFFFF  }
0xc1: {  	(tm) =	ssettm $0x7FFFFFFF  }
tec
execute0_lowered:
.L_overlay_start_1:
0x0: {  	(tag) =	ssettag $0x1  }
0x1: {  	s4 =	rddreg [dreg:$0x0]  }
0x2: {  	s0 =	rddreg [dreg:$0x1]  }
0x3: {  	s3 =	srdreg.scid;
	s1 =	stileid.u32;
	s2 =	simm.s32 $0x0  }
0x4: {  	s16 =	simm.s32 $0x8200;
	s17 =	simm.s32 $0x1;
	s18 =	simm.s32 $0x2  }
0x5: {  	s19 =	simm.s32 $0x0;
	s6 =	sand.u32 $0x1, s3;
	s10 =	smul.u32 $0x5000, s1  }
0x6: {  	s24 =	sshll.u32 s1, $0x1;
	[smem:$0x7FF] =	sst s2;
	s13 =	smul.u32 $0x280000, s1  }
0x7: {  	s3 =	sadd.s32 $0x83C00, s4;
	s12 =	sadd.s32 $0x43C00, s4;
	s26 =	smul.u32 $0x2800, s6  }
0x8: {  	s5 =	sor.u32 s6, s24;
	s8 =	ssub.s32 $0x2, s6;
	s14 =	smul.u32 $0x140000, s6  }
0x9: {  	s11 =	sadd.s32 $0xC3C00, s4;
	s7 =	smul.u32 $0x2800, s5;
	s25 =	sshrl.u32 s8, $0x1  }
0xa: {  	_ =	strace $0x8000004D;
	s9 =	smul.u32 $0x140000, s5;
	s5 =	ssub.s32 s8, s25  }
0xb: {  	s10 =	sadd.s32 s26, s10;
	s13 =	sadd.s32 s14, s13;
	s7 =	sshrl.u32 s7, $0x3  }
0xc: {  	s5 =	smax.u32 s5, $0x1;
	s28 =	sshrl.u32 s9, $0x3;
	s30 =	sor.u32 $0x200, s10  }
0xd: {  	s14 =	sshrl.u32 s13, $0x3;
	s13 =	sor.u32 $0x8000, s13;
	s15 =	sor.u32 $0x100, s10  }
0xe: {  	s4 =	sadd.s32 s12, s7;
	s29 =	sadd.s32 s11, s28;
	s9 =	sshrl.u32 s30, $0x3  }
0xf: {  	s10 =	sadd.s32 s14, s11;
	s13 =	sshrl.u32 s13, $0x3;
	s31 =	sshrl.u32 s15, $0x3  }
0x10: {  	s14 =	simm.s32 $0x100;
	s15 =	simm.s32 $0x200;
	s6 =	sadd.s32 $0x4E0, s4  }
0x11: {  	s7 =	sadd.s32 $0x26000, s29;
	s8 =	sadd.s32 $0x27000, s29;
	s9 =	sadd.s32 s9, s12  }
0x12: {  	s11 =	sadd.s32 s13, s11;
	s12 =	sadd.s32 s31, s12;
	s13 =	simm.s32 $0x3  }
.LBB2_1:
0x13: {  	[tilespmem:s2], [sflag:$0x3] =	stream.linear.gather [hbm4b:s4+s2], $0x100, $0x38;
	[tilespmem:$0x10200] =	vst v63  }
0x14: {  	_ =	swait.ge [sflag:s13], $0x100  }
0x15: {  	[sflag:s13] =	ssyncset.done $0x0  }
0x16: {  	[sflag:s13] =	ssyncadd.s32 $0xFFFFFF00  }
0x17: {  	[tilespmem:s15], [sflag:$0x1] =	stream.indirect.gather [hbm4b:s3+s14], $0x80, s2, s14, $0xb8;
	[tilespmem:$0x10200] =	vst v63  }
0x18: {  	s20 =	sadd.s32 $0x0, s12  }
0x19: {  	[tilespmem:s14], [sflag:$0x3] =	stream.linear.gather [hbm4b:s20+s2], $0x100, $0x38;
	[tilespmem:$0x10200] =	vst v63  }
0x1a: {  	_ =	swait.ge [sflag:s13], $0x100  }
0x1b: {  	[sflag:s13] =	ssyncset.done $0x0  }
0x1c: {  	[sflag:s13] =	ssyncadd.s32 $0xFFFFFF00  }
0x1d: {  	[tilespmem:s16], [sflag:$0x2] =	stream.indirect.gather [hbm4b:s3+s14], $0x80, s14, s14, $0xb8;
	[tilespmem:$0x10200] =	vst v63  }
0x1e: {  	_ =	swait.ge [sflag:s17], $0x8000  }
0x1f: {  	[sflag:s17] =	ssyncset.done $0x0  }
0x20: {  	[sflag:s17] =	ssyncadd.s32 $0xFFFF8000  }
0x21: {  	[hbm4b:s10+s2] =	stream.linear.scatter [tilespmem:s15], [sflag:$0x3], $0x8000, $0x38;
	[tilespmem:$0x10200] =	vst v63  }
0x22: {  	_ =	swait.ge [sflag:s13], $0x8000  }
0x23: {  	[sflag:s13] =	ssyncset.done $0x0  }
0x24: {  	s31 =	sadd.s32 $0x0, s9;
	[sflag:s13] =	ssyncadd.s32 $0xFFFF8000  }
0x25: {  	[tilespmem:s2], [sflag:$0x3] =	stream.linear.gather [hbm4b:s31+s2], $0x100, $0x38;
	[tilespmem:$0x10200] =	vst v63  }
0x26: {  	_ =	swait.ge [sflag:s13], $0x100  }
0x27: {  	[sflag:s13] =	ssyncset.done $0x0  }
0x28: {  	[sflag:s13] =	ssyncadd.s32 $0xFFFFFF00  }
0x29: {  	[tilespmem:s15], [sflag:$0x1] =	stream.indirect.gather [hbm4b:s3+s14], $0x80, s2, s14, $0xb8;
	[tilespmem:$0x10200] =	vst v63  }
0x2a: {  	_ =	swait.ge [sflag:s18], $0x8000  }
0x2b: {  	[sflag:s18] =	ssyncset.done $0x0  }
0x2c: {  	[sflag:s18] =	ssyncadd.s32 $0xFFFF8000  }
0x2d: {  	[hbm4b:s11+s2] =	stream.linear.scatter [tilespmem:s16], [sflag:$0x3], $0x8000, $0x38;
	[tilespmem:$0x10200] =	vst v63  }
0x2e: {  	s21 =	simm.s32 $0x40;
	s23 =	simm.s32 $0x80;
	_ =	swait.ge [sflag:s13], $0x8000  }
0x2f: {  	s22 =	sadd.s32 $0x2000, s10;
	s20 =	sadd.s32 $0x2000, s11;
	[sflag:s13] =	ssyncset.done $0x0  }
.LBB2_2:
0x30: {  	s24 =	sadd.s32 s21, s12  }
0x31: {  	[sflag:s13] =	ssyncadd.s32 $0xFFFF8000;
	s25 =	smov.u32 s23;
	s26 =	sadd.s32 $0x40, s23  }
0x32: {  	[tilespmem:s14], [sflag:$0x3] =	stream.linear.gather [hbm4b:s24+s2], $0x100, $0x38;
	[tilespmem:$0x10200] =	vst v63  }
0x33: {  	p0 =	sne.s32 s23, $0x480;
	_ =	swait.ge [sflag:s13], $0x100  }
0x34: {  	[sflag:s13] =	ssyncset.done $0x0  }
0x35: {  	[sflag:s13] =	ssyncadd.s32 $0xFFFFFF00  }
0x36: {  	[tilespmem:s16], [sflag:$0x2] =	stream.indirect.gather [hbm4b:s3+s14], $0x80, s14, s14, $0xb8;
	[tilespmem:$0x10200] =	vst v63  }
0x37: {  	_ =	swait.ge [sflag:s17], $0x8000  }
0x38: {  	[sflag:s17] =	ssyncset.done $0x0  }
0x39: {  	[sflag:s17] =	ssyncadd.s32 $0xFFFF8000  }
0x3a: {  	[hbm4b:s22+s2] =	stream.linear.scatter [tilespmem:s15], [sflag:$0x3], $0x8000, $0x38;
	[tilespmem:$0x10200] =	vst v63  }
0x3b: {  	_ =	swait.ge [sflag:s13], $0x8000  }
0x3c: {  	[sflag:s13] =	ssyncset.done $0x0  }
0x3d: {  	s23 =	sadd.s32 s21, s9;
	s21 =	smov.u32 s25;
	[sflag:s13] =	ssyncadd.s32 $0xFFFF8000  }
0x3e: {  	[tilespmem:s2], [sflag:$0x3] =	stream.linear.gather [hbm4b:s23+s2], $0x100, $0x38;
	[tilespmem:$0x10200] =	vst v63  }
0x3f: {  	_ =	swait.ge [sflag:s13], $0x100  }
0x40: {  	[sflag:s13] =	ssyncset.done $0x0  }
0x41: {  	[sflag:s13] =	ssyncadd.s32 $0xFFFFFF00  }
0x42: {  	[tilespmem:s15], [sflag:$0x1] =	stream.indirect.gather [hbm4b:s3+s14], $0x80, s2, s14, $0xb8;
	[tilespmem:$0x10200] =	vst v63  }
0x43: {  	_ =	swait.ge [sflag:s18], $0x8000  }
.Ltmp0:
0x44: {  	[sflag:s18] =	ssyncset.done $0x0;
	(pc) =	sbr.rel @p0 .LBB2_2-.Ltmp0, $4  }
0x45: {  	[sflag:s18] =	ssyncadd.s32 $0xFFFF8000  }
0x46: {  	[hbm4b:s20+s2] =	stream.linear.scatter [tilespmem:s16], [sflag:$0x3], $0x8000, $0x38;
	[tilespmem:$0x10200] =	vst v63  }
0x47: {  	s22 =	sadd.s32 $0x2000, s22;
	_ =	swait.ge [sflag:s13], $0x8000  }
0x48: {  	s23 =	smov.u32 s26;
	s20 =	sadd.s32 $0x2000, s20;
	[sflag:s13] =	ssyncset.done $0x0  }
0x49: {  	s23 =	sadd.s32 s21, s12;
	[sflag:s13] =	ssyncadd.s32 $0xFFFF8000  }
0x4a: {  	[tilespmem:s14], [sflag:$0x3] =	stream.linear.gather [hbm4b:s23+s2], $0x100, $0x38;
	[tilespmem:$0x10200] =	vst v63  }
0x4b: {  	_ =	swait.ge [sflag:s13], $0x100  }
0x4c: {  	[sflag:s13] =	ssyncset.done $0x0  }
0x4d: {  	[sflag:s13] =	ssyncadd.s32 $0xFFFFFF00  }
0x4e: {  	[tilespmem:s16], [sflag:$0x2] =	stream.indirect.gather [hbm4b:s3+s14], $0x80, s14, s14, $0xb8;
	[tilespmem:$0x10200] =	vst v63  }
0x4f: {  	_ =	swait.ge [sflag:s17], $0x8000  }
0x50: {  	[sflag:s17] =	ssyncset.done $0x0  }
0x51: {  	[sflag:s17] =	ssyncadd.s32 $0xFFFF8000  }
0x52: {  	[hbm4b:s22+s2] =	stream.linear.scatter [tilespmem:s15], [sflag:$0x3], $0x8000, $0x38;
	[tilespmem:$0x10200] =	vst v63  }
0x53: {  	_ =	swait.ge [sflag:s13], $0x8000  }
0x54: {  	[sflag:s13] =	ssyncset.done $0x0  }
0x55: {  	s31 =	sadd.s32 s21, s9;
	[sflag:s13] =	ssyncadd.s32 $0xFFFF8000  }
0x56: {  	[tilespmem:s2], [sflag:$0x3] =	stream.linear.gather [hbm4b:s31+s2], $0x100, $0x38;
	[tilespmem:$0x10200] =	vst v63  }
0x57: {  	_ =	swait.ge [sflag:s13], $0x100  }
0x58: {  	[sflag:s13] =	ssyncset.done $0x0  }
0x59: {  	[sflag:s13] =	ssyncadd.s32 $0xFFFFFF00  }
0x5a: {  	[tilespmem:s15], [sflag:$0x1] =	stream.indirect.gather [hbm4b:s3+s14], $0x80, s2, s14, $0xb8;
	[tilespmem:$0x10200] =	vst v63  }
0x5b: {  	_ =	swait.ge [sflag:s18], $0x8000  }
0x5c: {  	[sflag:s18] =	ssyncset.done $0x0  }
0x5d: {  	[sflag:s18] =	ssyncadd.s32 $0xFFFF8000  }
0x5e: {  	[hbm4b:s20+s2] =	stream.linear.scatter [tilespmem:s16], [sflag:$0x3], $0x8000, $0x38;
	[tilespmem:$0x10200] =	vst v63  }
0x5f: {  	_ =	swait.ge [sflag:s13], $0x8000  }
0x60: {  	[sflag:s13] =	ssyncset.done $0x0  }
0x61: {  	[sflag:s13] =	ssyncadd.s32 $0xFFFF8000  }
0x62: {  	[tilespmem:s14], [sflag:$0x3] =	stream.linear.gather [hbm4b:s6+s2], $0x100, $0x38;
	[tilespmem:$0x10200] =	vst v63  }
0x63: {  	_ =	swait.ge [sflag:s13], $0x100  }
0x64: {  	[sflag:s13] =	ssyncset.done $0x0  }
0x65: {  	[sflag:s13] =	ssyncadd.s32 $0xFFFFFF00  }
0x66: {  	[tilespmem:s16], [sflag:$0x2] =	stream.indirect.gather [hbm4b:s3+s14], $0x80, s14, s14, $0xb8;
	[tilespmem:$0x10200] =	vst v63  }
0x67: {  	_ =	swait.ge [sflag:s17], $0x8000  }
0x68: {  	[sflag:s17] =	ssyncset.done $0x0  }
0x69: {  	[sflag:s17] =	ssyncadd.s32 $0xFFFF8000  }
0x6a: {  	[hbm4b:s7+s2] =	stream.linear.scatter [tilespmem:s15], [sflag:$0x3], $0x8000, $0x38;
	[tilespmem:$0x10200] =	vst v63  }
0x6b: {  	_ =	swait.ge [sflag:s13], $0x8000  }
0x6c: {  	[sflag:s13] =	ssyncset.done $0x0  }
0x6d: {  	[sflag:s13] =	ssyncadd.s32 $0xFFFF8000  }
0x6e: {  	s19 =	sadd.s32 $0x1, s19;
	_ =	swait.ge [sflag:s18], $0x8000  }
0x6f: {  	p0 =	sne.s32 s19, s5;
	[sflag:s18] =	ssyncset.done $0x0  }
.Ltmp1:
0x70: {  	[sflag:s18] =	ssyncadd.s32 $0xFFFF8000;
	(pc) =	sbr.rel @p0 .LBB2_1-.Ltmp1, $4  }
0x71: {  	[hbm4b:s8+s2] =	stream.linear.scatter [tilespmem:s16], [sflag:$0x3], $0x8000, $0x38;
	[tilespmem:$0x10200] =	vst v63  }
0x72: {  	_ =	swait.ge [sflag:s13], $0x8000  }
0x73: {  	[sflag:s13] =	ssyncset.done $0x0  }
0x74: {  	[sflag:s13] =	ssyncadd.s32 $0xFFFF8000  }
0x75: {  	_ =	sfence.sel $0x180000  }
0x76: {  	[bflag:$0x0] =	sbarrier.arrive $0xFFFF  }
0x77: {  	p0 =	sne.s32 s1, $0x0;
	_ =	strace $0x9000004D  }
0x78: {  	s0 =	sadd.s32 @!p0 $0x100000, s0;
	[bflag:$0x2] =	sbarrier.arrive $0xFFFF  }
0x79: {  	[sflag:s0] =	ssyncadd.tile.s32 @!p0 $0x1;
	_ =	shalt  }
.Lfunc_end2:
_tile_overlayer_lowered:
.L_overlay_start_2:
0x7a: {  	(tag) =	ssettag $0x2  }
0x7b: {  	s0 =	rddreg [dreg:$0x0];
	s2 =	stileid.u32  }
0x7c: {  	s1 =	rddreg [dreg:$0x1];
	p0 =	sne.s32 s2, $0x0  }
0x7d: {  	s3 =	rddreg [dreg:$0x2];
	[bflag:$0x3] =	sbarrier.arrive $0xFFFF;
	s2 =	simm.s32 @!p0 $0x1C03  }
0x7e: {  	[timem:s3], [sflag:s2] =	dma.local @!p0 [hbm:s0], s1  }
0x7f: {  	s0 =	simm.s32 @!p0 $0x3  }
0x80: {  	_ =	swait.ge @!p0 [sflag:s0], s1  }
0x81: {  	s1 =	ssub.s32 @!p0 $0x0, s1;
	[sflag:s0] =	ssyncset.done @!p0 $0x0  }
0x82: {  	[sflag:s0] =	ssyncadd.s32 @!p0 s1  }
0x83: {  	[bflag:$0x3] =	sbarrier.arrive $0xFFFF  }
0x84: {  	_ =	shalt  }

</sc_bundles>
